<compile_context>
chip_gen: v7x
topology: tpu7x:2x2x1
jax: 0.10.2.dev20260603
libtpu: 0.0.44.dev20260713+nightly
codegen_flags: <defaults>
</compile_context>

<pallas_src>
import functools

import jax
import jax.numpy as jnp
from jax import lax
from jax.experimental import pallas as pl
from jax.experimental.pallas import tpu as pltpu
from jax.experimental.pallas import tpu_sc as plsc

N = 100
E = 4000
KPOOL = 50
NCLUST = 50
NEG_SLOPE = 0.01

NC, NS, L = 2, 16, 16
NTILES = NC * NS
EPAD = 4096
CHUNK = EPAD // NTILES
ACC_ROWS = 2 * N
ACC_LANES = 128
ACC_FLAT = ACC_ROWS * ACC_LANES

_HI = lax.Precision.HIGHEST
_DF = lax.Precision.DEFAULT


def _dot(a, b, dims, prec):
    return lax.dot_general(a, b, (dims, ((), ())),
                           precision=prec, preferred_element_type=jnp.float32)


def _mm(a, b, prec):
    return _dot(a, b, ((1,), (0,)), prec)


def _leaky(v):
    return jnp.where(v >= 0, v, NEG_SLOPE * v)


def _softmax(v):
    m = jnp.max(v, axis=-1, keepdims=True)
    e = jnp.exp(v - m)
    return e / jnp.sum(e, axis=-1, keepdims=True)


@functools.lru_cache(maxsize=1)
def _densify_sc():
    mesh = plsc.VectorSubcoreMesh(core_axis_name="c", subcore_axis_name="s")

    @functools.partial(
        pl.kernel, mesh=mesh,
        out_type=jax.ShapeDtypeStruct((NC, ACC_FLAT), jnp.float32),
        scratch_types=[
            pltpu.VMEM((CHUNK,), jnp.int32),
            pltpu.VMEM((CHUNK,), jnp.int32),
            pltpu.VMEM((CHUNK,), jnp.float32),
            pltpu.VMEM((CHUNK,), jnp.float32),
            pltpu.VMEM((CHUNK,), jnp.int32),
            pltpu.VMEM((CHUNK,), jnp.int32),
            pltpu.VMEM_SHARED((ACC_FLAT,), jnp.float32),
        ],
    )
    def dens(row_hbm, col_hbm, ea_hbm, ones_hbm, zero_hbm, out_hbm,
             row_v, col_v, ea_v, ones_v, idxw_v, idxc_v, shared):
        cid = lax.axis_index("c")
        sid = lax.axis_index("s")
        base = (cid * NS + sid) * CHUNK
        pltpu.sync_copy(row_hbm.at[pl.ds(base, CHUNK)], row_v)
        pltpu.sync_copy(col_hbm.at[pl.ds(base, CHUNK)], col_v)
        pltpu.sync_copy(ea_hbm.at[pl.ds(base, CHUNK)], ea_v)
        pltpu.sync_copy(ones_hbm.at[pl.ds(base, CHUNK)], ones_v)
        for v in range(CHUNK // L):
            sl = pl.ds(v * L, L)
            flat = col_v[sl] * ACC_LANES + row_v[sl]
            idxw_v[sl] = flat
            idxc_v[sl] = flat + N * ACC_LANES

        @pl.when(sid == 0)
        def _zero_shared():
            pltpu.sync_copy(zero_hbm, shared)

        plsc.subcore_barrier()
        pltpu.sync_copy(ea_v, shared.at[idxw_v], add=True)
        pltpu.sync_copy(ones_v, shared.at[idxc_v], add=True)
        plsc.subcore_barrier()

        @pl.when(sid == 0)
        def _publish():
            pltpu.sync_copy(shared, out_hbm.at[cid])

    return dens


def _fwd_kernel(acc_ref, x_ref,
                wl1_ref, bl1_ref, wr1_ref, br1_ref,
                wl2_ref, bl2_ref, wr2_ref, br2_ref,
                wg1_ref, bg1_ref, wrel_ref, brel_ref, wroot_ref,
                wc0_ref, wc1_ref, wc2_ref, bc_ref,
                out_ref):
    f32 = jnp.float32
    acc = (acc_ref[0] + acc_ref[1]).reshape(ACC_ROWS, ACC_LANES)
    ci0 = lax.broadcasted_iota(jnp.int32, (N, N), 0)
    ri0 = lax.broadcasted_iota(jnp.int32, (N, N), 1)
    eye00 = ((ci0 == 0) & (ri0 == 0)).astype(f32)
    a_w = acc[0:N, 0:N]
    bc_mat = acc[N:2 * N, 0:N] - (EPAD - E) * eye00

    eye = (lax.broadcasted_iota(jnp.int32, (N, N), 0)
           == lax.broadcasted_iota(jnp.int32, (N, N), 1)).astype(f32)
    a_f = a_w + eye
    ci = lax.broadcasted_iota(jnp.int32, (N, N), 0)
    ri = lax.broadcasted_iota(jnp.int32, (N, N), 1)
    in_l = (ci < KPOOL) & (ri < KPOOL)
    in_r = (ci >= KPOOL) & (ri >= KPOOL)
    a_l = jnp.where(in_l, a_w, 0.0) + eye
    a_r = jnp.where(in_r, a_w, 0.0) + eye

    def inv_sqrt_deg(a):
        deg = jnp.sum(a, axis=1, keepdims=True)
        return lax.rsqrt(deg)

    dis_f = inv_sqrt_deg(a_f)
    dis_l = inv_sqrt_deg(a_l)
    dis_r = inv_sqrt_deg(a_r)

    def gcn(xw, a, dis, b):
        return dis * _mm(a, dis * xw, _HI) + b

    x = x_ref[...]
    riota64 = lax.broadcasted_iota(jnp.int32, (N, 64), 0)
    riota20 = lax.broadcasted_iota(jnp.int32, (N, 20), 0)

    hl = _leaky(gcn(_mm(x, wl1_ref[...], _DF), a_l, dis_l, bl1_ref[...]))
    hr = _leaky(gcn(_mm(x, wr1_ref[...], _DF), a_r, dis_r, br1_ref[...]))
    h1 = jnp.where(riota64 < KPOOL, hl, hr)

    hl2 = _leaky(gcn(_mm(h1, wl2_ref[...], _DF), a_l, dis_l, bl2_ref[...]))
    hr2 = _leaky(gcn(_mm(h1, wr2_ref[...], _DF), a_r, dis_r, br2_ref[...]))
    h2a = jnp.where(riota20 < KPOOL, hl2, hr2)

    h2 = _leaky(gcn(_mm(h2a, wg1_ref[...], _DF), a_f, dis_f, bg1_ref[...]))

    agg = _mm(bc_mat, h2, _HI)
    score = jnp.tanh(_mm(agg, wrel_ref[...], _DF) + brel_ref[...]
                     + _mm(h2, wroot_ref[...], _DF))

    score_row = _dot(score, eye, ((0,), (0,)), _HI)
    ri = lax.broadcasted_iota(jnp.int32, (N, N), 0)
    rj = lax.broadcasted_iota(jnp.int32, (N, N), 1)
    beats = ((score_row > score) |
             ((score_row == score) & (rj < ri))).astype(f32)
    rank = jnp.sum(beats, axis=1, keepdims=True)
    rank_row = _dot(rank, eye, ((0,), (0,)), _HI)

    piota = lax.broadcasted_iota(jnp.int32, (KPOOL, N), 0).astype(f32)
    perm_mat = (rank_row == piota).astype(f32)

    vals = _mm(perm_mat, score, _HI)
    x_pool = _mm(perm_mat, h2, _HI) * vals

    craw = _dot(_mm(perm_mat, bc_mat, _HI), perm_mat, ((1,), (1,)), _HI)
    deg_c = jnp.sum(craw, axis=1, keepdims=True)
    dis_c = jnp.where(deg_c > 0, lax.rsqrt(jnp.where(deg_c > 0, deg_c, 1.0)), 0.0)

    def prop_top(z):
        return -(dis_c * _mm(craw, dis_c * z, _HI))

    h2_top = h2[0:KPOOL, :]
    h2_bot = h2[KPOOL:N, :]
    t1_top = prop_top(h2_top)
    t2_top = 2.0 * prop_top(t1_top) - h2_top
    zeros_bot = jnp.zeros((N - KPOOL, 20), f32)
    tx1 = jnp.concatenate([t1_top, zeros_bot], axis=0)
    tx2 = jnp.concatenate([t2_top, -h2_bot], axis=0)

    cheb = (_mm(h2, wc0_ref[...], _DF) + _mm(tx1, wc1_ref[...], _DF)
            + _mm(tx2, wc2_ref[...], _DF) + bc_ref[...])
    ass = _softmax(cheb)
    s = _softmax(ass)

    h_coarse = _dot(s, h2, ((0,), (0,)), _DF)

    kept = (rank < KPOOL).astype(f32)
    tri = (rj < ri).astype(f32)
    cum_excl = _mm(tri, kept, _HI)
    cum_row = _dot(cum_excl, eye, ((0,), (0,)), _HI)
    kept_row = rank_row < KPOOL
    qiota = lax.broadcasted_iota(jnp.int32, (KPOOL, N), 0).astype(f32)
    q_mat = ((cum_row == qiota) & kept_row).astype(f32)

    inter = _mm(q_mat, ass, _HI)
    h1_out = _mm(inter, h_coarse, _DF)
    out_ref[...] = x_pool + h1_out


def kernel(x, edge_index, edge_attr, adj, W_l1, b_l1, W_r1, b_r1, W_l2, b_l2,
           W_r2, b_r2, W_g1, b_g1, W_rel, b_rel, W_root, W_c0, W_c1, W_c2, b_c):
    del adj
    f32 = jnp.float32
    pad = EPAD - E
    acc2 = _densify_sc()(
        jnp.pad(edge_index[0], (0, pad)), jnp.pad(edge_index[1], (0, pad)),
        jnp.pad(edge_attr.astype(f32), (0, pad)),
        jnp.ones((EPAD,), f32),
        jnp.zeros((ACC_FLAT,), f32))
    operands = (
        acc2, x,
        W_l1, b_l1.reshape(1, -1), W_r1, b_r1.reshape(1, -1),
        W_l2, b_l2.reshape(1, -1), W_r2, b_r2.reshape(1, -1),
        W_g1, b_g1.reshape(1, -1), W_rel, b_rel.reshape(1, 1), W_root,
        W_c0, W_c1, W_c2, b_c.reshape(1, -1),
    )
    h2_out = pl.pallas_call(
        _fwd_kernel,
        out_shape=jax.ShapeDtypeStruct((KPOOL, 20), jnp.float32),
    )(*operands)
    return h2_out.reshape(1, -1)

# --- scband reference (transcript-rebuilt; emitter-appended) ---
"""Pipeline reference for scband-brain-connectomic-graph-12317966205115 (READ-ONLY COPY).

The authoritative reference and input builder live on the scoring server;
editing this copy changes nothing except your own understanding.
"""

import jax, jax.numpy as jnp
import numpy as np

N = 100
E = 4000
KPOOL = 50   # ceil(opt.k1 * 100), opt.k1 = 0.5 (SAGPooling ratio)
NCLUST = 50  # int(opt.k2 * 100), opt.k2 = 0.5 (ChebConv out / diffpool clusters)
NEG_SLOPE = 0.01


def _glorot(k, shape):
    lim = float(np.sqrt(6.0 / (shape[0] + shape[1])))
    return jax.random.uniform(k, shape, jnp.float32, -lim, lim)


def setup_inputs(seed: int = 0):
    key = jax.random.key(seed)
    ks = jax.random.split(key, 24)
    inp = {}
    inp['x'] = jax.random.normal(ks[0], (N, N), dtype=jnp.float32)
    inp['edge_index'] = jax.random.randint(ks[1], (2, E), 0, N, dtype=jnp.int32)
    inp['edge_attr'] = jax.random.uniform(ks[2], (E,), dtype=jnp.float32)
    inp['adj'] = jax.random.uniform(ks[3], (N, N), dtype=jnp.float32)
    inp['W_l1'] = _glorot(ks[4], (100, 64)); inp['b_l1'] = jnp.zeros((64,), jnp.float32)
    inp['W_r1'] = _glorot(ks[5], (100, 64)); inp['b_r1'] = jnp.zeros((64,), jnp.float32)
    inp['W_l2'] = _glorot(ks[6], (64, 20)); inp['b_l2'] = jnp.zeros((20,), jnp.float32)
    inp['W_r2'] = _glorot(ks[7], (64, 20)); inp['b_r2'] = jnp.zeros((20,), jnp.float32)
    inp['W_g1'] = _glorot(ks[8], (20, 20)); inp['b_g1'] = jnp.zeros((20,), jnp.float32)
    inp['W_rel'] = _glorot(ks[9], (20, 1)); inp['b_rel'] = jnp.zeros((1,), jnp.float32)
    inp['W_root'] = _glorot(ks[10], (20, 1))
    inp['W_c0'] = _glorot(ks[11], (20, NCLUST))
    inp['W_c1'] = _glorot(ks[12], (20, NCLUST))
    inp['W_c2'] = _glorot(ks[13], (20, NCLUST))
    inp['b_c'] = jnp.zeros((NCLUST,), jnp.float32)
    return inp


def _gcn(x, W, b, row, col, ew, n):
    # PyG GCNConv with edge_weight: add self-loops (w=1), sym norm, scatter-add to dst
    xw = x @ W
    loop = jnp.arange(n, dtype=row.dtype)
    r = jnp.concatenate([row, loop]); c = jnp.concatenate([col, loop])
    w = jnp.concatenate([ew, jnp.ones((n,), xw.dtype)])
    deg = jnp.zeros((n,), xw.dtype).at[c].add(w)
    dis = jnp.where(deg > 0, jax.lax.rsqrt(jnp.where(deg > 0, deg, 1.0)), 0.0)
    norm = dis[r] * w * dis[c]
    return jnp.zeros_like(xw).at[c].add(xw[r] * norm[:, None]) + b


def _forward(x, edge_attr, adj, W_l1, b_l1, W_r1, b_r1, W_l2, b_l2, W_r2, b_r2,
             W_g1, b_g1, W_rel, b_rel, W_root, W_c0, W_c1, W_c2, b_c, row, col):
    # subgraph(left)/subgraph(right) emulated by zeroing edge weights (equivalent under GCN norm)
    lm = ((row < 50) & (col < 50)).astype(x.dtype)
    rm = ((row >= 50) & (col >= 50)).astype(x.dtype)
    ew_l = edge_attr * lm
    ew_r = edge_attr * rm
    hl = jax.nn.leaky_relu(_gcn(x, W_l1, b_l1, row, col, ew_l, N), NEG_SLOPE)
    hr = jax.nn.leaky_relu(_gcn(x, W_r1, b_r1, row, col, ew_r, N), NEG_SLOPE)
    h1 = jnp.concatenate([hl[:50], hr[50:]], axis=0)
    hl2 = jax.nn.leaky_relu(_gcn(h1, W_l2, b_l2, row, col, ew_l, N), NEG_SLOPE)
    hr2 = jax.nn.leaky_relu(_gcn(h1, W_r2, b_r2, row, col, ew_r, N), NEG_SLOPE)
    h2 = jnp.concatenate([hl2[:50], hr2[50:]], axis=0)
    h2 = jax.nn.leaky_relu(_gcn(h2, W_g1, b_g1, row, col, edge_attr, N), NEG_SLOPE)
    # SAGPooling: score GNN = GraphConv(20,1) (no edge weight), nonlinearity = tanh
    agg = jnp.zeros((N, h2.shape[1]), h2.dtype).at[col].add(h2[row])
    score = jnp.tanh((agg @ W_rel + b_rel + h2 @ W_root).reshape(-1))
    vals, perm = jax.lax.top_k(score, KPOOL)
    x_pool = h2[perm] * vals[:, None]
    is_in = jnp.zeros((N,), bool).at[perm].set(True)
    inv = jnp.zeros((N,), jnp.int32).at[perm].set(jnp.arange(KPOOL, dtype=jnp.int32))
    emask = (is_in[row] & is_in[col]).astype(h2.dtype)
    prow = inv[row].astype(jnp.int32); pcol = inv[col].astype(jnp.int32)
    # ChebConv K=3, sym, lambda_max=2 => L_hat = -D^-1/2 A D^-1/2 over the pooled (relabeled)
    # edges while x still has 100 rows (faithful to the original code's quirk)
    deg = jnp.zeros((N,), h2.dtype).at[pcol].add(emask)
    dis = jnp.where(deg > 0, jax.lax.rsqrt(jnp.where(deg > 0, deg, 1.0)), 0.0)
    wch = -dis[prow] * emask * dis[pcol]
    def prop(z):
        return jnp.zeros_like(z).at[pcol].add(z[prow] * wch[:, None])
    Tx0 = h2
    Tx1 = prop(Tx0)
    Tx2 = 2.0 * prop(Tx1) - Tx0
    cheb = Tx0 @ W_c0 + Tx1 @ W_c1 + Tx2 @ W_c2 + b_c
    ass = jax.nn.softmax(cheb, axis=-1)
    # dense_diff_pool (applies its own softmax internally)
    s = jax.nn.softmax(ass, axis=-1)
    H_coarse = s.T @ h2
    _out_adj = s.T @ adj @ s
    _link_loss = jnp.linalg.norm(adj - s @ s.T) / adj.size
    _ent_loss = jnp.mean(jnp.sum(-s * jnp.log(s + 1e-15), axis=-1))
    inter = ass[jnp.sort(perm)]  # rows of ass at kept node ids, in ascending id order
    H1 = inter @ H_coarse
    H2 = x_pool + H1
    return H2.reshape(1, -1)


def reference(x, edge_index, edge_attr, adj, W_l1, b_l1, W_r1, b_r1, W_l2, b_l2,
              W_r2, b_r2, W_g1, b_g1, W_rel, b_rel, W_root, W_c0, W_c1, W_c2, b_c):
    row = edge_index[0]; col = edge_index[1]
    return _forward(x, edge_attr, adj, W_l1, b_l1, W_r1, b_r1, W_l2, b_l2, W_r2, b_r2,
                    W_g1, b_g1, W_rel, b_rel, W_root, W_c0, W_c1, W_c2, b_c, row, col)

if __name__ == "__main__":
    import jax
    _d = setup_inputs()
    print(jax.jit(kernel)(*tuple(_d.values())))

</pallas_src>

<mosaic_0001>
#map = affine_map<(d0, d1) -> (0)>
#map1 = affine_map<(d0, d1) -> (0, 0)>
module attributes {stable_mosaic.version = 14 : i64} {
  func.func @dens(%arg0: i32, %arg1: i32, %arg2: memref<4096xi32, #tpu.memory_space<hbm>>, %arg3: memref<4096xi32, #tpu.memory_space<hbm>>, %arg4: memref<4096xf32, #tpu.memory_space<hbm>>, %arg5: memref<4096xf32, #tpu.memory_space<hbm>>, %arg6: memref<25600xf32, #tpu.memory_space<hbm>>, %arg7: memref<2x25600xf32, #tpu.memory_space<hbm>>, %arg8: memref<128xi32, #tpu.memory_space<vmem>>, %arg9: memref<128xi32, #tpu.memory_space<vmem>>, %arg10: memref<128xf32, #tpu.memory_space<vmem>>, %arg11: memref<128xf32, #tpu.memory_space<vmem>>, %arg12: memref<128xi32, #tpu.memory_space<vmem>>, %arg13: memref<128xi32, #tpu.memory_space<vmem>>, %arg14: memref<25600xf32, #tpu.memory_space<vmem_shared>>) attributes {dimension_semantics = [#tpu.dimension_semantics<core_parallel>, #tpu.dimension_semantics<subcore_parallel>], iteration_bounds = array<i64: 2, 16>, scalar_prefetch = 0 : i64, scratch_operands = 7 : i64, tpu.core_type = #tpu.core_type<sc_vector_subcore>, window_params = [{transform_indices = #map}, {transform_indices = #map}, {transform_indices = #map}, {transform_indices = #map}, {transform_indices = #map}, {transform_indices = #map1}]} {
    %mul3A = arith.constant 16 : i32
    %mul3A_0 = arith.muli %arg0, %mul3A : i32
    %add3A = arith.addi %mul3A_0, %arg1 : i32
    %mul3A_1 = arith.constant 128 : i32
    %mul3A_2 = arith.muli %add3A, %mul3A_1 : i32
    "tpu.region"() ({
      %run_scoped3A = tpu.sem_alloc : memref<!tpu.dma_semaphore, #tpu.memory_space<semaphore_mem>>
      %dma_start3A = tpu.memref_slice %arg2[%mul3A_2] : memref<4096xi32, #tpu.memory_space<hbm>> -> memref<128xi32, #tpu.memory_space<hbm>>
      %dma_start3A_177 = tpu.memref_slice %arg2[%mul3A_2] : memref<4096xi32, #tpu.memory_space<hbm>> -> memref<128xi32, #tpu.memory_space<hbm>>
      tpu.enqueue_dma source(%dma_start3A_177 : memref<128xi32, #tpu.memory_space<hbm>>) target(%arg8 : memref<128xi32, #tpu.memory_space<vmem>>) target_semaphore(%run_scoped3A : memref<!tpu.dma_semaphore, #tpu.memory_space<semaphore_mem>>)
      %dma_wait3A = tpu.memref_slice %arg2[%mul3A_2] : memref<4096xi32, #tpu.memory_space<hbm>> -> memref<128xi32, #tpu.memory_space<hbm>>
      %dma_wait3A_178 = tpu.memref_slice %arg2[%mul3A_2] : memref<4096xi32, #tpu.memory_space<hbm>> -> memref<128xi32, #tpu.memory_space<hbm>>
      tpu.wait_dma2 semaphore(%run_scoped3A : memref<!tpu.dma_semaphore, #tpu.memory_space<semaphore_mem>>) src(%dma_wait3A_178 : memref<128xi32, #tpu.memory_space<hbm>>) dst(%arg8 : memref<128xi32, #tpu.memory_space<vmem>>)
      tpu.yield
    }) : () -> ()
    "tpu.region"() ({
      %run_scoped3A = tpu.sem_alloc : memref<!tpu.dma_semaphore, #tpu.memory_space<semaphore_mem>>
      %dma_start3A = tpu.memref_slice %arg3[%mul3A_2] : memref<4096xi32, #tpu.memory_space<hbm>> -> memref<128xi32, #tpu.memory_space<hbm>>
      %dma_start3A_177 = tpu.memref_slice %arg3[%mul3A_2] : memref<4096xi32, #tpu.memory_space<hbm>> -> memref<128xi32, #tpu.memory_space<hbm>>
      tpu.enqueue_dma source(%dma_start3A_177 : memref<128xi32, #tpu.memory_space<hbm>>) target(%arg9 : memref<128xi32, #tpu.memory_space<vmem>>) target_semaphore(%run_scoped3A : memref<!tpu.dma_semaphore, #tpu.memory_space<semaphore_mem>>)
      %dma_wait3A = tpu.memref_slice %arg3[%mul3A_2] : memref<4096xi32, #tpu.memory_space<hbm>> -> memref<128xi32, #tpu.memory_space<hbm>>
      %dma_wait3A_178 = tpu.memref_slice %arg3[%mul3A_2] : memref<4096xi32, #tpu.memory_space<hbm>> -> memref<128xi32, #tpu.memory_space<hbm>>
      tpu.wait_dma2 semaphore(%run_scoped3A : memref<!tpu.dma_semaphore, #tpu.memory_space<semaphore_mem>>) src(%dma_wait3A_178 : memref<128xi32, #tpu.memory_space<hbm>>) dst(%arg9 : memref<128xi32, #tpu.memory_space<vmem>>)
      tpu.yield
    }) : () -> ()
    "tpu.region"() ({
      %run_scoped3A = tpu.sem_alloc : memref<!tpu.dma_semaphore, #tpu.memory_space<semaphore_mem>>
      %dma_start3A = tpu.memref_slice %arg4[%mul3A_2] : memref<4096xf32, #tpu.memory_space<hbm>> -> memref<128xf32, #tpu.memory_space<hbm>>
      %dma_start3A_177 = tpu.memref_slice %arg4[%mul3A_2] : memref<4096xf32, #tpu.memory_space<hbm>> -> memref<128xf32, #tpu.memory_space<hbm>>
      tpu.enqueue_dma source(%dma_start3A_177 : memref<128xf32, #tpu.memory_space<hbm>>) target(%arg10 : memref<128xf32, #tpu.memory_space<vmem>>) target_semaphore(%run_scoped3A : memref<!tpu.dma_semaphore, #tpu.memory_space<semaphore_mem>>)
      %dma_wait3A = tpu.memref_slice %arg4[%mul3A_2] : memref<4096xf32, #tpu.memory_space<hbm>> -> memref<128xf32, #tpu.memory_space<hbm>>
      %dma_wait3A_178 = tpu.memref_slice %arg4[%mul3A_2] : memref<4096xf32, #tpu.memory_space<hbm>> -> memref<128xf32, #tpu.memory_space<hbm>>
      tpu.wait_dma2 semaphore(%run_scoped3A : memref<!tpu.dma_semaphore, #tpu.memory_space<semaphore_mem>>) src(%dma_wait3A_178 : memref<128xf32, #tpu.memory_space<hbm>>) dst(%arg10 : memref<128xf32, #tpu.memory_space<vmem>>)
      tpu.yield
    }) : () -> ()
    "tpu.region"() ({
      %run_scoped3A = tpu.sem_alloc : memref<!tpu.dma_semaphore, #tpu.memory_space<semaphore_mem>>
      %dma_start3A = tpu.memref_slice %arg5[%mul3A_2] : memref<4096xf32, #tpu.memory_space<hbm>> -> memref<128xf32, #tpu.memory_space<hbm>>
      %dma_start3A_177 = tpu.memref_slice %arg5[%mul3A_2] : memref<4096xf32, #tpu.memory_space<hbm>> -> memref<128xf32, #tpu.memory_space<hbm>>
      tpu.enqueue_dma source(%dma_start3A_177 : memref<128xf32, #tpu.memory_space<hbm>>) target(%arg11 : memref<128xf32, #tpu.memory_space<vmem>>) target_semaphore(%run_scoped3A : memref<!tpu.dma_semaphore, #tpu.memory_space<semaphore_mem>>)
      %dma_wait3A = tpu.memref_slice %arg5[%mul3A_2] : memref<4096xf32, #tpu.memory_space<hbm>> -> memref<128xf32, #tpu.memory_space<hbm>>
      %dma_wait3A_178 = tpu.memref_slice %arg5[%mul3A_2] : memref<4096xf32, #tpu.memory_space<hbm>> -> memref<128xf32, #tpu.memory_space<hbm>>
      tpu.wait_dma2 semaphore(%run_scoped3A : memref<!tpu.dma_semaphore, #tpu.memory_space<semaphore_mem>>) src(%dma_wait3A_178 : memref<128xf32, #tpu.memory_space<hbm>>) dst(%arg11 : memref<128xf32, #tpu.memory_space<vmem>>)
      tpu.yield
    }) : () -> ()
    %get3A = arith.constant 0 : index
    %get3A_3 = tpu.vector_load %arg9[%get3A] {strides = array<i32>} : memref<128xi32, #tpu.memory_space<vmem>>, vector<16xi32>,
    %get3A_4 = vector.shape_cast %get3A_3 : vector<16xi32> to vector<16xi32>
    %mul3A_5 = arith.constant 128 : i32
    %mul3A_6 = vector.broadcast %mul3A_5 : i32 to vector<16xi32>
    %mul3A_7 = arith.muli %get3A_4, %mul3A_6 : vector<16xi32>
    %get3A_8 = arith.constant 0 : index
    %get3A_9 = tpu.vector_load %arg8[%get3A_8] {strides = array<i32>} : memref<128xi32, #tpu.memory_space<vmem>>, vector<16xi32>,
    %get3A_10 = vector.shape_cast %get3A_9 : vector<16xi32> to vector<16xi32>
    %add3A_11 = arith.addi %mul3A_7, %get3A_10 : vector<16xi32>
    %swap3A = arith.constant 0 : index
    %swap3A_12 = tpu.vector_load %arg12[%swap3A] {strides = array<i32>} : memref<128xi32, #tpu.memory_space<vmem>>, vector<16xi32>,
    %swap3A_13 = vector.shape_cast %swap3A_12 : vector<16xi32> to vector<16xi32>
    %swap3A_14 = vector.shape_cast %add3A_11 : vector<16xi32> to vector<16xi32>
    tpu.vector_store %arg12[%swap3A], %swap3A_14 {strides = array<i32>} : memref<128xi32, #tpu.memory_space<vmem>>, vector<16xi32>,
    %add3A_15 = arith.constant 12800 : i32
    %add3A_16 = vector.broadcast %add3A_15 : i32 to vector<16xi32>
    %add3A_17 = arith.addi %add3A_11, %add3A_16 : vector<16xi32>
    %swap3A_18 = arith.constant 0 : index
    %swap3A_19 = tpu.vector_load %arg13[%swap3A_18] {strides = array<i32>} : memref<128xi32, #tpu.memory_space<vmem>>, vector<16xi32>,
    %swap3A_20 = vector.shape_cast %swap3A_19 : vector<16xi32> to vector<16xi32>
    %swap3A_21 = vector.shape_cast %add3A_17 : vector<16xi32> to vector<16xi32>
    tpu.vector_store %arg13[%swap3A_18], %swap3A_21 {strides = array<i32>} : memref<128xi32, #tpu.memory_space<vmem>>, vector<16xi32>,
    %get3A_22 = arith.constant 16 : index
    %get3A_23 = tpu.vector_load %arg9[%get3A_22] {strides = array<i32>} : memref<128xi32, #tpu.memory_space<vmem>>, vector<16xi32>,
    %get3A_24 = vector.shape_cast %get3A_23 : vector<16xi32> to vector<16xi32>
    %mul3A_25 = arith.constant 128 : i32
    %mul3A_26 = vector.broadcast %mul3A_25 : i32 to vector<16xi32>
    %mul3A_27 = arith.muli %get3A_24, %mul3A_26 : vector<16xi32>
    %get3A_28 = arith.constant 16 : index
    %get3A_29 = tpu.vector_load %arg8[%get3A_28] {strides = array<i32>} : memref<128xi32, #tpu.memory_space<vmem>>, vector<16xi32>,
    %get3A_30 = vector.shape_cast %get3A_29 : vector<16xi32> to vector<16xi32>
    %add3A_31 = arith.addi %mul3A_27, %get3A_30 : vector<16xi32>
    %swap3A_32 = arith.constant 16 : index
    %swap3A_33 = tpu.vector_load %arg12[%swap3A_32] {strides = array<i32>} : memref<128xi32, #tpu.memory_space<vmem>>, vector<16xi32>,
    %swap3A_34 = vector.shape_cast %swap3A_33 : vector<16xi32> to vector<16xi32>
    %swap3A_35 = vector.shape_cast %add3A_31 : vector<16xi32> to vector<16xi32>
    tpu.vector_store %arg12[%swap3A_32], %swap3A_35 {strides = array<i32>} : memref<128xi32, #tpu.memory_space<vmem>>, vector<16xi32>,
    %add3A_36 = arith.constant 12800 : i32
    %add3A_37 = vector.broadcast %add3A_36 : i32 to vector<16xi32>
    %add3A_38 = arith.addi %add3A_31, %add3A_37 : vector<16xi32>
    %swap3A_39 = arith.constant 16 : index
    %swap3A_40 = tpu.vector_load %arg13[%swap3A_39] {strides = array<i32>} : memref<128xi32, #tpu.memory_space<vmem>>, vector<16xi32>,
    %swap3A_41 = vector.shape_cast %swap3A_40 : vector<16xi32> to vector<16xi32>
    %swap3A_42 = vector.shape_cast %add3A_38 : vector<16xi32> to vector<16xi32>
    tpu.vector_store %arg13[%swap3A_39], %swap3A_42 {strides = array<i32>} : memref<128xi32, #tpu.memory_space<vmem>>, vector<16xi32>,
    %get3A_43 = arith.constant 32 : index
    %get3A_44 = tpu.vector_load %arg9[%get3A_43] {strides = array<i32>} : memref<128xi32, #tpu.memory_space<vmem>>, vector<16xi32>,
    %get3A_45 = vector.shape_cast %get3A_44 : vector<16xi32> to vector<16xi32>
    %mul3A_46 = arith.constant 128 : i32
    %mul3A_47 = vector.broadcast %mul3A_46 : i32 to vector<16xi32>
    %mul3A_48 = arith.muli %get3A_45, %mul3A_47 : vector<16xi32>
    %get3A_49 = arith.constant 32 : index
    %get3A_50 = tpu.vector_load %arg8[%get3A_49] {strides = array<i32>} : memref<128xi32, #tpu.memory_space<vmem>>, vector<16xi32>,
    %get3A_51 = vector.shape_cast %get3A_50 : vector<16xi32> to vector<16xi32>
    %add3A_52 = arith.addi %mul3A_48, %get3A_51 : vector<16xi32>
    %swap3A_53 = arith.constant 32 : index
    %swap3A_54 = tpu.vector_load %arg12[%swap3A_53] {strides = array<i32>} : memref<128xi32, #tpu.memory_space<vmem>>, vector<16xi32>,
    %swap3A_55 = vector.shape_cast %swap3A_54 : vector<16xi32> to vector<16xi32>
    %swap3A_56 = vector.shape_cast %add3A_52 : vector<16xi32> to vector<16xi32>
    tpu.vector_store %arg12[%swap3A_53], %swap3A_56 {strides = array<i32>} : memref<128xi32, #tpu.memory_space<vmem>>, vector<16xi32>,
    %add3A_57 = arith.constant 12800 : i32
    %add3A_58 = vector.broadcast %add3A_57 : i32 to vector<16xi32>
    %add3A_59 = arith.addi %add3A_52, %add3A_58 : vector<16xi32>
    %swap3A_60 = arith.constant 32 : index
    %swap3A_61 = tpu.vector_load %arg13[%swap3A_60] {strides = array<i32>} : memref<128xi32, #tpu.memory_space<vmem>>, vector<16xi32>,
    %swap3A_62 = vector.shape_cast %swap3A_61 : vector<16xi32> to vector<16xi32>
    %swap3A_63 = vector.shape_cast %add3A_59 : vector<16xi32> to vector<16xi32>
    tpu.vector_store %arg13[%swap3A_60], %swap3A_63 {strides = array<i32>} : memref<128xi32, #tpu.memory_space<vmem>>, vector<16xi32>,
    %get3A_64 = arith.constant 48 : index
    %get3A_65 = tpu.vector_load %arg9[%get3A_64] {strides = array<i32>} : memref<128xi32, #tpu.memory_space<vmem>>, vector<16xi32>,
    %get3A_66 = vector.shape_cast %get3A_65 : vector<16xi32> to vector<16xi32>
    %mul3A_67 = arith.constant 128 : i32
    %mul3A_68 = vector.broadcast %mul3A_67 : i32 to vector<16xi32>
    %mul3A_69 = arith.muli %get3A_66, %mul3A_68 : vector<16xi32>
    %get3A_70 = arith.constant 48 : index
    %get3A_71 = tpu.vector_load %arg8[%get3A_70] {strides = array<i32>} : memref<128xi32, #tpu.memory_space<vmem>>, vector<16xi32>,
    %get3A_72 = vector.shape_cast %get3A_71 : vector<16xi32> to vector<16xi32>
    %add3A_73 = arith.addi %mul3A_69, %get3A_72 : vector<16xi32>
    %swap3A_74 = arith.constant 48 : index
    %swap3A_75 = tpu.vector_load %arg12[%swap3A_74] {strides = array<i32>} : memref<128xi32, #tpu.memory_space<vmem>>, vector<16xi32>,
    %swap3A_76 = vector.shape_cast %swap3A_75 : vector<16xi32> to vector<16xi32>
    %swap3A_77 = vector.shape_cast %add3A_73 : vector<16xi32> to vector<16xi32>
    tpu.vector_store %arg12[%swap3A_74], %swap3A_77 {strides = array<i32>} : memref<128xi32, #tpu.memory_space<vmem>>, vector<16xi32>,
    %add3A_78 = arith.constant 12800 : i32
    %add3A_79 = vector.broadcast %add3A_78 : i32 to vector<16xi32>
    %add3A_80 = arith.addi %add3A_73, %add3A_79 : vector<16xi32>
    %swap3A_81 = arith.constant 48 : index
    %swap3A_82 = tpu.vector_load %arg13[%swap3A_81] {strides = array<i32>} : memref<128xi32, #tpu.memory_space<vmem>>, vector<16xi32>,
    %swap3A_83 = vector.shape_cast %swap3A_82 : vector<16xi32> to vector<16xi32>
    %swap3A_84 = vector.shape_cast %add3A_80 : vector<16xi32> to vector<16xi32>
    tpu.vector_store %arg13[%swap3A_81], %swap3A_84 {strides = array<i32>} : memref<128xi32, #tpu.memory_space<vmem>>, vector<16xi32>,
    %get3A_85 = arith.constant 64 : index
    %get3A_86 = tpu.vector_load %arg9[%get3A_85] {strides = array<i32>} : memref<128xi32, #tpu.memory_space<vmem>>, vector<16xi32>,
    %get3A_87 = vector.shape_cast %get3A_86 : vector<16xi32> to vector<16xi32>
    %mul3A_88 = arith.constant 128 : i32
    %mul3A_89 = vector.broadcast %mul3A_88 : i32 to vector<16xi32>
    %mul3A_90 = arith.muli %get3A_87, %mul3A_89 : vector<16xi32>
    %get3A_91 = arith.constant 64 : index
    %get3A_92 = tpu.vector_load %arg8[%get3A_91] {strides = array<i32>} : memref<128xi32, #tpu.memory_space<vmem>>, vector<16xi32>,
    %get3A_93 = vector.shape_cast %get3A_92 : vector<16xi32> to vector<16xi32>
    %add3A_94 = arith.addi %mul3A_90, %get3A_93 : vector<16xi32>
    %swap3A_95 = arith.constant 64 : index
    %swap3A_96 = tpu.vector_load %arg12[%swap3A_95] {strides = array<i32>} : memref<128xi32, #tpu.memory_space<vmem>>, vector<16xi32>,
    %swap3A_97 = vector.shape_cast %swap3A_96 : vector<16xi32> to vector<16xi32>
    %swap3A_98 = vector.shape_cast %add3A_94 : vector<16xi32> to vector<16xi32>
    tpu.vector_store %arg12[%swap3A_95], %swap3A_98 {strides = array<i32>} : memref<128xi32, #tpu.memory_space<vmem>>, vector<16xi32>,
    %add3A_99 = arith.constant 12800 : i32
    %add3A_100 = vector.broadcast %add3A_99 : i32 to vector<16xi32>
    %add3A_101 = arith.addi %add3A_94, %add3A_100 : vector<16xi32>
    %swap3A_102 = arith.constant 64 : index
    %swap3A_103 = tpu.vector_load %arg13[%swap3A_102] {strides = array<i32>} : memref<128xi32, #tpu.memory_space<vmem>>, vector<16xi32>,
    %swap3A_104 = vector.shape_cast %swap3A_103 : vector<16xi32> to vector<16xi32>
    %swap3A_105 = vector.shape_cast %add3A_101 : vector<16xi32> to vector<16xi32>
    tpu.vector_store %arg13[%swap3A_102], %swap3A_105 {strides = array<i32>} : memref<128xi32, #tpu.memory_space<vmem>>, vector<16xi32>,
    %get3A_106 = arith.constant 80 : index
    %get3A_107 = tpu.vector_load %arg9[%get3A_106] {strides = array<i32>} : memref<128xi32, #tpu.memory_space<vmem>>, vector<16xi32>,
    %get3A_108 = vector.shape_cast %get3A_107 : vector<16xi32> to vector<16xi32>
    %mul3A_109 = arith.constant 128 : i32
    %mul3A_110 = vector.broadcast %mul3A_109 : i32 to vector<16xi32>
    %mul3A_111 = arith.muli %get3A_108, %mul3A_110 : vector<16xi32>
    %get3A_112 = arith.constant 80 : index
    %get3A_113 = tpu.vector_load %arg8[%get3A_112] {strides = array<i32>} : memref<128xi32, #tpu.memory_space<vmem>>, vector<16xi32>,
    %get3A_114 = vector.shape_cast %get3A_113 : vector<16xi32> to vector<16xi32>
    %add3A_115 = arith.addi %mul3A_111, %get3A_114 : vector<16xi32>
    %swap3A_116 = arith.constant 80 : index
    %swap3A_117 = tpu.vector_load %arg12[%swap3A_116] {strides = array<i32>} : memref<128xi32, #tpu.memory_space<vmem>>, vector<16xi32>,
    %swap3A_118 = vector.shape_cast %swap3A_117 : vector<16xi32> to vector<16xi32>
    %swap3A_119 = vector.shape_cast %add3A_115 : vector<16xi32> to vector<16xi32>
    tpu.vector_store %arg12[%swap3A_116], %swap3A_119 {strides = array<i32>} : memref<128xi32, #tpu.memory_space<vmem>>, vector<16xi32>,
    %add3A_120 = arith.constant 12800 : i32
    %add3A_121 = vector.broadcast %add3A_120 : i32 to vector<16xi32>
    %add3A_122 = arith.addi %add3A_115, %add3A_121 : vector<16xi32>
    %swap3A_123 = arith.constant 80 : index
    %swap3A_124 = tpu.vector_load %arg13[%swap3A_123] {strides = array<i32>} : memref<128xi32, #tpu.memory_space<vmem>>, vector<16xi32>,
    %swap3A_125 = vector.shape_cast %swap3A_124 : vector<16xi32> to vector<16xi32>
    %swap3A_126 = vector.shape_cast %add3A_122 : vector<16xi32> to vector<16xi32>
    tpu.vector_store %arg13[%swap3A_123], %swap3A_126 {strides = array<i32>} : memref<128xi32, #tpu.memory_space<vmem>>, vector<16xi32>,
    %get3A_127 = arith.constant 96 : index
    %get3A_128 = tpu.vector_load %arg9[%get3A_127] {strides = array<i32>} : memref<128xi32, #tpu.memory_space<vmem>>, vector<16xi32>,
    %get3A_129 = vector.shape_cast %get3A_128 : vector<16xi32> to vector<16xi32>
    %mul3A_130 = arith.constant 128 : i32
    %mul3A_131 = vector.broadcast %mul3A_130 : i32 to vector<16xi32>
    %mul3A_132 = arith.muli %get3A_129, %mul3A_131 : vector<16xi32>
    %get3A_133 = arith.constant 96 : index
    %get3A_134 = tpu.vector_load %arg8[%get3A_133] {strides = array<i32>} : memref<128xi32, #tpu.memory_space<vmem>>, vector<16xi32>,
    %get3A_135 = vector.shape_cast %get3A_134 : vector<16xi32> to vector<16xi32>
    %add3A_136 = arith.addi %mul3A_132, %get3A_135 : vector<16xi32>
    %swap3A_137 = arith.constant 96 : index
    %swap3A_138 = tpu.vector_load %arg12[%swap3A_137] {strides = array<i32>} : memref<128xi32, #tpu.memory_space<vmem>>, vector<16xi32>,
    %swap3A_139 = vector.shape_cast %swap3A_138 : vector<16xi32> to vector<16xi32>
    %swap3A_140 = vector.shape_cast %add3A_136 : vector<16xi32> to vector<16xi32>
    tpu.vector_store %arg12[%swap3A_137], %swap3A_140 {strides = array<i32>} : memref<128xi32, #tpu.memory_space<vmem>>, vector<16xi32>,
    %add3A_141 = arith.constant 12800 : i32
    %add3A_142 = vector.broadcast %add3A_141 : i32 to vector<16xi32>
    %add3A_143 = arith.addi %add3A_136, %add3A_142 : vector<16xi32>
    %swap3A_144 = arith.constant 96 : index
    %swap3A_145 = tpu.vector_load %arg13[%swap3A_144] {strides = array<i32>} : memref<128xi32, #tpu.memory_space<vmem>>, vector<16xi32>,
    %swap3A_146 = vector.shape_cast %swap3A_145 : vector<16xi32> to vector<16xi32>
    %swap3A_147 = vector.shape_cast %add3A_143 : vector<16xi32> to vector<16xi32>
    tpu.vector_store %arg13[%swap3A_144], %swap3A_147 {strides = array<i32>} : memref<128xi32, #tpu.memory_space<vmem>>, vector<16xi32>,
    %get3A_148 = arith.constant 112 : index
    %get3A_149 = tpu.vector_load %arg9[%get3A_148] {strides = array<i32>} : memref<128xi32, #tpu.memory_space<vmem>>, vector<16xi32>,
    %get3A_150 = vector.shape_cast %get3A_149 : vector<16xi32> to vector<16xi32>
    %mul3A_151 = arith.constant 128 : i32
    %mul3A_152 = vector.broadcast %mul3A_151 : i32 to vector<16xi32>
    %mul3A_153 = arith.muli %get3A_150, %mul3A_152 : vector<16xi32>
    %get3A_154 = arith.constant 112 : index
    %get3A_155 = tpu.vector_load %arg8[%get3A_154] {strides = array<i32>} : memref<128xi32, #tpu.memory_space<vmem>>, vector<16xi32>,
    %get3A_156 = vector.shape_cast %get3A_155 : vector<16xi32> to vector<16xi32>
    %add3A_157 = arith.addi %mul3A_153, %get3A_156 : vector<16xi32>
    %swap3A_158 = arith.constant 112 : index
    %swap3A_159 = tpu.vector_load %arg12[%swap3A_158] {strides = array<i32>} : memref<128xi32, #tpu.memory_space<vmem>>, vector<16xi32>,
    %swap3A_160 = vector.shape_cast %swap3A_159 : vector<16xi32> to vector<16xi32>
    %swap3A_161 = vector.shape_cast %add3A_157 : vector<16xi32> to vector<16xi32>
    tpu.vector_store %arg12[%swap3A_158], %swap3A_161 {strides = array<i32>} : memref<128xi32, #tpu.memory_space<vmem>>, vector<16xi32>,
    %add3A_162 = arith.constant 12800 : i32
    %add3A_163 = vector.broadcast %add3A_162 : i32 to vector<16xi32>
    %add3A_164 = arith.addi %add3A_157, %add3A_163 : vector<16xi32>
    %swap3A_165 = arith.constant 112 : index
    %swap3A_166 = tpu.vector_load %arg13[%swap3A_165] {strides = array<i32>} : memref<128xi32, #tpu.memory_space<vmem>>, vector<16xi32>,
    %swap3A_167 = vector.shape_cast %swap3A_166 : vector<16xi32> to vector<16xi32>
    %swap3A_168 = vector.shape_cast %add3A_164 : vector<16xi32> to vector<16xi32>
    tpu.vector_store %arg13[%swap3A_165], %swap3A_168 {strides = array<i32>} : memref<128xi32, #tpu.memory_space<vmem>>, vector<16xi32>,
    %eq3A = arith.constant 0 : i32
    %eq3A_169 = arith.cmpi eq, %arg1, %eq3A : i32
    %convert_element_type3A = arith.extui %eq3A_169 : i1 to i32
    %cond3A = arith.constant 0 : i32
    %cond3A_170 = arith.cmpi ne, %convert_element_type3A, %cond3A : i32
    scf.if %cond3A_170 {
      "tpu.region"() ({
        %run_scoped3A = tpu.sem_alloc : memref<!tpu.dma_semaphore, #tpu.memory_space<semaphore_mem>>
        tpu.enqueue_dma source(%arg6 : memref<25600xf32, #tpu.memory_space<hbm>>) target(%arg14 : memref<25600xf32, #tpu.memory_space<vmem_shared>>) target_semaphore(%run_scoped3A : memref<!tpu.dma_semaphore, #tpu.memory_space<semaphore_mem>>)
        tpu.wait_dma2 semaphore(%run_scoped3A : memref<!tpu.dma_semaphore, #tpu.memory_space<semaphore_mem>>) src(%arg6 : memref<25600xf32, #tpu.memory_space<hbm>>) dst(%arg14 : memref<25600xf32, #tpu.memory_space<vmem_shared>>)
        tpu.yield
      }) : () -> ()
    } else {
    }
    %barrier3A = arith.constant 0 : index
    tpu.barrier barrier_id(%barrier3A)
    "tpu.region"() ({
      %run_scoped3A = tpu.sem_alloc : memref<!tpu.dma_semaphore, #tpu.memory_space<semaphore_mem>>
      %dma_start3A = arith.constant 0 : i32
      %dma_start3A_177 = tpu.memref_slice %arg14[%dma_start3A] : memref<25600xf32, #tpu.memory_space<vmem_shared>> -> memref<25600xf32, #tpu.memory_space<vmem_shared>>
      tpu.enqueue_indirect_dma source(%arg10 : memref<128xf32, #tpu.memory_space<vmem>>) target(%dma_start3A_177 : memref<25600xf32, #tpu.memory_space<vmem_shared>>) offsets(%arg12 : memref<128xi32, #tpu.memory_space<vmem>>) semaphore(%run_scoped3A : memref<!tpu.dma_semaphore, #tpu.memory_space<semaphore_mem>>) {add = true}
      %dma_wait3A = arith.constant 0 : i32
      %dma_wait3A_178 = tpu.memref_slice %arg14[%dma_wait3A] : memref<25600xf32, #tpu.memory_space<vmem_shared>> -> memref<25600xf32, #tpu.memory_space<vmem_shared>>
      tpu.wait_indirect_dma semaphore(%run_scoped3A : memref<!tpu.dma_semaphore, #tpu.memory_space<semaphore_mem>>) src(%arg10 : memref<128xf32, #tpu.memory_space<vmem>>) dst(%dma_wait3A_178 : memref<25600xf32, #tpu.memory_space<vmem_shared>>)
      tpu.yield
    }) : () -> ()
    "tpu.region"() ({
      %run_scoped3A = tpu.sem_alloc : memref<!tpu.dma_semaphore, #tpu.memory_space<semaphore_mem>>
      %dma_start3A = arith.constant 0 : i32
      %dma_start3A_177 = tpu.memref_slice %arg14[%dma_start3A] : memref<25600xf32, #tpu.memory_space<vmem_shared>> -> memref<25600xf32, #tpu.memory_space<vmem_shared>>
      tpu.enqueue_indirect_dma source(%arg11 : memref<128xf32, #tpu.memory_space<vmem>>) target(%dma_start3A_177 : memref<25600xf32, #tpu.memory_space<vmem_shared>>) offsets(%arg13 : memref<128xi32, #tpu.memory_space<vmem>>) semaphore(%run_scoped3A : memref<!tpu.dma_semaphore, #tpu.memory_space<semaphore_mem>>) {add = true}
      %dma_wait3A = arith.constant 0 : i32
      %dma_wait3A_178 = tpu.memref_slice %arg14[%dma_wait3A] : memref<25600xf32, #tpu.memory_space<vmem_shared>> -> memref<25600xf32, #tpu.memory_space<vmem_shared>>
      tpu.wait_indirect_dma semaphore(%run_scoped3A : memref<!tpu.dma_semaphore, #tpu.memory_space<semaphore_mem>>) src(%arg11 : memref<128xf32, #tpu.memory_space<vmem>>) dst(%dma_wait3A_178 : memref<25600xf32, #tpu.memory_space<vmem_shared>>)
      tpu.yield
    }) : () -> ()
    %barrier3A_171 = arith.constant 0 : index
    tpu.barrier barrier_id(%barrier3A_171)
    %eq3A_172 = arith.constant 0 : i32
    %eq3A_173 = arith.cmpi eq, %arg1, %eq3A_172 : i32
    %convert_element_type3A_174 = arith.extui %eq3A_173 : i1 to i32
    %cond3A_175 = arith.constant 0 : i32
    %cond3A_176 = arith.cmpi ne, %convert_element_type3A_174, %cond3A_175 : i32
    scf.if %cond3A_176 {
      "tpu.region"() ({
        %run_scoped3A = tpu.sem_alloc : memref<!tpu.dma_semaphore, #tpu.memory_space<semaphore_mem>>
        %dma_start3A = arith.constant 0 : i32
        %dma_start3A_177 = tpu.memref_slice %arg7[%arg0, %dma_start3A] : memref<2x25600xf32, #tpu.memory_space<hbm>> -> memref<1x25600xf32, #tpu.memory_space<hbm>>
        %dma_start3A_178 = tpu.memref_squeeze %dma_start3A_177 : memref<1x25600xf32, #tpu.memory_space<hbm>> -> memref<25600xf32, #tpu.memory_space<hbm>>
        tpu.enqueue_dma source(%arg14 : memref<25600xf32, #tpu.memory_space<vmem_shared>>) target(%dma_start3A_178 : memref<25600xf32, #tpu.memory_space<hbm>>) target_semaphore(%run_scoped3A : memref<!tpu.dma_semaphore, #tpu.memory_space<semaphore_mem>>)
        %dma_wait3A = arith.constant 0 : i32
        %dma_wait3A_179 = tpu.memref_slice %arg7[%arg0, %dma_wait3A] : memref<2x25600xf32, #tpu.memory_space<hbm>> -> memref<1x25600xf32, #tpu.memory_space<hbm>>
        %dma_wait3A_180 = tpu.memref_squeeze %dma_wait3A_179 : memref<1x25600xf32, #tpu.memory_space<hbm>> -> memref<25600xf32, #tpu.memory_space<hbm>>
        tpu.wait_dma2 semaphore(%run_scoped3A : memref<!tpu.dma_semaphore, #tpu.memory_space<semaphore_mem>>) src(%arg14 : memref<25600xf32, #tpu.memory_space<vmem_shared>>) dst(%dma_wait3A_180 : memref<25600xf32, #tpu.memory_space<hbm>>)
        tpu.yield
      }) : () -> ()
    } else {
    }
    return
  }
}

module attributes {stable_mosaic.version = 14 : i64} {
  func.func @_fwd_kernel(%arg0: memref<2x25600xf32, #tpu.memory_space<vmem>>, %arg1: memref<100x100xf32, #tpu.memory_space<vmem>>, %arg2: memref<100x64xf32, #tpu.memory_space<vmem>>, %arg3: memref<1x64xf32, #tpu.memory_space<vmem>>, %arg4: memref<100x64xf32, #tpu.memory_space<vmem>>, %arg5: memref<1x64xf32, #tpu.memory_space<vmem>>, %arg6: memref<64x20xf32, #tpu.memory_space<vmem>>, %arg7: memref<1x20xf32, #tpu.memory_space<vmem>>, %arg8: memref<64x20xf32, #tpu.memory_space<vmem>>, %arg9: memref<1x20xf32, #tpu.memory_space<vmem>>, %arg10: memref<20x20xf32, #tpu.memory_space<vmem>>, %arg11: memref<1x20xf32, #tpu.memory_space<vmem>>, %arg12: memref<20x1xf32, #tpu.memory_space<vmem>>, %arg13: memref<1x1xf32, #tpu.memory_space<vmem>>, %arg14: memref<20x1xf32, #tpu.memory_space<vmem>>, %arg15: memref<20x50xf32, #tpu.memory_space<vmem>>, %arg16: memref<20x50xf32, #tpu.memory_space<vmem>>, %arg17: memref<20x50xf32, #tpu.memory_space<vmem>>, %arg18: memref<1x50xf32, #tpu.memory_space<vmem>>, %arg19: memref<50x20xf32, #tpu.memory_space<vmem>>) attributes {dimension_semantics = [], scalar_prefetch = 0 : i64, scratch_operands = 0 : i64, tpu.core_type = #tpu.core_type<tc>} {
    %get3A = arith.constant 0 : index
    %get3A_0 = arith.constant 0 : index
    %get3A_1 = vector.load %arg0[%get3A, %get3A_0] : memref<2x25600xf32, #tpu.memory_space<vmem>>, vector<1x25600xf32>
    %get3A_2 = vector.shape_cast %get3A_1 : vector<1x25600xf32> to vector<25600xf32>
    %get3A_3 = arith.constant 1 : index
    %get3A_4 = arith.constant 0 : index
    %get3A_5 = vector.load %arg0[%get3A_3, %get3A_4] : memref<2x25600xf32, #tpu.memory_space<vmem>>, vector<1x25600xf32>
    %get3A_6 = vector.shape_cast %get3A_5 : vector<1x25600xf32> to vector<25600xf32>
    %add3A = arith.addf %get3A_2, %get3A_6 : vector<25600xf32>
    %reshape3A = vector.shape_cast %add3A : vector<25600xf32> to vector<200x128xf32>
    %iota3A = tpu.iota {dimensions = array<i32: 0>} : vector<100x100xi32>
    %iota3A_7 = tpu.iota {dimensions = array<i32: 1>} : vector<100x100xi32>
    %eq3A = arith.constant 0 : i32
    %eq3A_8 = vector.broadcast %eq3A : i32 to vector<100x100xi32>
    %eq3A_9 = arith.cmpi eq, %iota3A, %eq3A_8 : vector<100x100xi32>
    %eq3A_10 = arith.constant 0 : i32
    %eq3A_11 = vector.broadcast %eq3A_10 : i32 to vector<100x100xi32>
    %eq3A_12 = arith.cmpi eq, %iota3A_7, %eq3A_11 : vector<100x100xi32>
    %and3A = arith.andi %eq3A_9, %eq3A_12 : vector<100x100xi1>
    %convert_element_type3A = arith.extui %and3A : vector<100x100xi1> to vector<100x100xi32>
    %convert_element_type3A_13 = arith.sitofp %convert_element_type3A : vector<100x100xi32> to vector<100x100xf32>
    %slice3A = vector.extract_strided_slice %reshape3A {offsets = [0, 0], sizes = [100, 100], strides = [1, 1]} : vector<200x128xf32> to vector<100x100xf32>
    %slice3A_14 = vector.extract_strided_slice %reshape3A {offsets = [100, 0], sizes = [100, 100], strides = [1, 1]} : vector<200x128xf32> to vector<100x100xf32>
    %mul3A = arith.constant 9.600000e+01 : f32
    %mul3A_15 = vector.broadcast %mul3A : f32 to vector<100x100xf32>
    %mul3A_16 = arith.mulf %mul3A_15, %convert_element_type3A_13 : vector<100x100xf32>
    %sub3A = arith.subf %slice3A_14, %mul3A_16 : vector<100x100xf32>
    %iota3A_17 = tpu.iota {dimensions = array<i32: 0>} : vector<100x100xi32>
    %iota3A_18 = tpu.iota {dimensions = array<i32: 1>} : vector<100x100xi32>
    %eq3A_19 = arith.cmpi eq, %iota3A_17, %iota3A_18 : vector<100x100xi32>
    %convert_element_type3A_20 = arith.extui %eq3A_19 : vector<100x100xi1> to vector<100x100xi32>
    %convert_element_type3A_21 = arith.sitofp %convert_element_type3A_20 : vector<100x100xi32> to vector<100x100xf32>
    %add3A_22 = arith.addf %slice3A, %convert_element_type3A_21 : vector<100x100xf32>
    %iota3A_23 = tpu.iota {dimensions = array<i32: 0>} : vector<100x100xi32>
    %iota3A_24 = tpu.iota {dimensions = array<i32: 1>} : vector<100x100xi32>
    %lt3A = arith.constant 50 : i32
    %lt3A_25 = vector.broadcast %lt3A : i32 to vector<100x100xi32>
    %lt3A_26 = arith.cmpi slt, %iota3A_23, %lt3A_25 : vector<100x100xi32>
    %lt3A_27 = arith.constant 50 : i32
    %lt3A_28 = vector.broadcast %lt3A_27 : i32 to vector<100x100xi32>
    %lt3A_29 = arith.cmpi slt, %iota3A_24, %lt3A_28 : vector<100x100xi32>
    %and3A_30 = arith.andi %lt3A_26, %lt3A_29 : vector<100x100xi1>
    %ge3A = arith.constant 50 : i32
    %ge3A_31 = vector.broadcast %ge3A : i32 to vector<100x100xi32>
    %ge3A_32 = arith.cmpi sge, %iota3A_23, %ge3A_31 : vector<100x100xi32>
    %ge3A_33 = arith.constant 50 : i32
    %ge3A_34 = vector.broadcast %ge3A_33 : i32 to vector<100x100xi32>
    %ge3A_35 = arith.cmpi sge, %iota3A_24, %ge3A_34 : vector<100x100xi32>
    %and3A_36 = arith.andi %ge3A_32, %ge3A_35 : vector<100x100xi1>
    %jit3A = arith.constant 0.000000e+00 : f32
    %broadcast_in_dim3A = vector.broadcast %jit3A : f32 to vector<100x100xf32>
    %select_n3A = arith.select %and3A_30, %slice3A, %broadcast_in_dim3A : vector<100x100xi1>, vector<100x100xf32>
    %add3A_37 = arith.addf %select_n3A, %convert_element_type3A_21 : vector<100x100xf32>
    %jit3A_38 = arith.constant 0.000000e+00 : f32
    %broadcast_in_dim3A_39 = vector.broadcast %jit3A_38 : f32 to vector<100x100xf32>
    %select_n3A_40 = arith.select %and3A_36, %slice3A, %broadcast_in_dim3A_39 : vector<100x100xi1>, vector<100x100xf32>
    %add3A_41 = arith.addf %select_n3A_40, %convert_element_type3A_21 : vector<100x100xf32>
    %reduce_sum3A = arith.constant dense<0.000000e+00> : vector<100xf32>
    %reduce_sum3A_42 = vector.multi_reduction <add>, %add3A_22, %reduce_sum3A [1] : vector<100x100xf32> to vector<100xf32>
    %broadcast_in_dim3A_43 = vector.shape_cast %reduce_sum3A_42 : vector<100xf32> to vector<100x1xf32>
    %rsqrt3A = math.rsqrt %broadcast_in_dim3A_43 : vector<100x1xf32>
    %reduce_sum3A_44 = arith.constant dense<0.000000e+00> : vector<100xf32>
    %reduce_sum3A_45 = vector.multi_reduction <add>, %add3A_37, %reduce_sum3A_44 [1] : vector<100x100xf32> to vector<100xf32>
    %broadcast_in_dim3A_46 = vector.shape_cast %reduce_sum3A_45 : vector<100xf32> to vector<100x1xf32>
    %rsqrt3A_47 = math.rsqrt %broadcast_in_dim3A_46 : vector<100x1xf32>
    %reduce_sum3A_48 = arith.constant dense<0.000000e+00> : vector<100xf32>
    %reduce_sum3A_49 = vector.multi_reduction <add>, %add3A_41, %reduce_sum3A_48 [1] : vector<100x100xf32> to vector<100xf32>
    %broadcast_in_dim3A_50 = vector.shape_cast %reduce_sum3A_49 : vector<100xf32> to vector<100x1xf32>
    %rsqrt3A_51 = math.rsqrt %broadcast_in_dim3A_50 : vector<100x1xf32>
    %get3A_52 = arith.constant 0 : index
    %get3A_53 = arith.constant 0 : index
    %get3A_54 = vector.load %arg1[%get3A_52, %get3A_53] : memref<100x100xf32, #tpu.memory_space<vmem>>, vector<100x100xf32>
    %iota3A_55 = tpu.iota {dimensions = array<i32: 0>} : vector<100x64xi32>
    %iota3A_56 = tpu.iota {dimensions = array<i32: 0>} : vector<100x20xi32>
    %get3A_57 = arith.constant 0 : index
    %get3A_58 = arith.constant 0 : index
    %get3A_59 = vector.load %arg2[%get3A_57, %get3A_58] : memref<100x64xf32, #tpu.memory_space<vmem>>, vector<100x64xf32>
    %dot_general3A = arith.constant dense<0.000000e+00> : vector<100x64xf32>
    %dot_general3A_60 = tpu.matmul %get3A_54, %get3A_59, %dot_general3A {dimension_numbers = #tpu.dot_dimension_numbers<[1], [0], [0], [1], [0, 0, 1, 1], [], []>, transpose_lhs_hint = false} : vector<100x100xf32>, vector<100x64xf32>, vector<100x64xf32> -> vector<100x64xf32>
    %get3A_61 = arith.constant 0 : index
    %get3A_62 = arith.constant 0 : index
    %get3A_63 = vector.load %arg3[%get3A_61, %get3A_62] : memref<1x64xf32, #tpu.memory_space<vmem>>, vector<1x64xf32>
    %mul3A_64 = vector.broadcast %rsqrt3A_47 : vector<100x1xf32> to vector<100x64xf32>
    %mul3A_65 = arith.mulf %mul3A_64, %dot_general3A_60 : vector<100x64xf32>
    %dot_general3A_66 = arith.constant dense<0.000000e+00> : vector<100x64xf32>
    %dot_general3A_67 = tpu.matmul %add3A_37, %mul3A_65, %dot_general3A_66 {dimension_numbers = #tpu.dot_dimension_numbers<[1], [0], [0], [1], [0, 0, 1, 1], [], []>, precision = #tpu.contract_precision<fp32>, transpose_lhs_hint = false} : vector<100x100xf32>, vector<100x64xf32>, vector<100x64xf32> -> vector<100x64xf32>
    %mul3A_68 = vector.broadcast %rsqrt3A_47 : vector<100x1xf32> to vector<100x64xf32>
    %mul3A_69 = arith.mulf %mul3A_68, %dot_general3A_67 : vector<100x64xf32>
    %add3A_70 = vector.broadcast %get3A_63 : vector<1x64xf32> to vector<100x64xf32>
    %add3A_71 = arith.addf %mul3A_69, %add3A_70 : vector<100x64xf32>
    %ge3A_72 = arith.constant 0.000000e+00 : f32
    %ge3A_73 = vector.broadcast %ge3A_72 : f32 to vector<100x64xf32>
    %ge3A_74 = arith.cmpf oge, %add3A_71, %ge3A_73 : vector<100x64xf32>
    %mul3A_75 = arith.constant 0.00999999977 : f32
    %mul3A_76 = vector.broadcast %mul3A_75 : f32 to vector<100x64xf32>
    %mul3A_77 = arith.mulf %mul3A_76, %add3A_71 : vector<100x64xf32>
    %select_n3A_78 = arith.select %ge3A_74, %add3A_71, %mul3A_77 : vector<100x64xi1>, vector<100x64xf32>
    %get3A_79 = arith.constant 0 : index
    %get3A_80 = arith.constant 0 : index
    %get3A_81 = vector.load %arg4[%get3A_79, %get3A_80] : memref<100x64xf32, #tpu.memory_space<vmem>>, vector<100x64xf32>
    %dot_general3A_82 = arith.constant dense<0.000000e+00> : vector<100x64xf32>
    %dot_general3A_83 = tpu.matmul %get3A_54, %get3A_81, %dot_general3A_82 {dimension_numbers = #tpu.dot_dimension_numbers<[1], [0], [0], [1], [0, 0, 1, 1], [], []>, transpose_lhs_hint = false} : vector<100x100xf32>, vector<100x64xf32>, vector<100x64xf32> -> vector<100x64xf32>
    %get3A_84 = arith.constant 0 : index
    %get3A_85 = arith.constant 0 : index
    %get3A_86 = vector.load %arg5[%get3A_84, %get3A_85] : memref<1x64xf32, #tpu.memory_space<vmem>>, vector<1x64xf32>
    %mul3A_87 = vector.broadcast %rsqrt3A_51 : vector<100x1xf32> to vector<100x64xf32>
    %mul3A_88 = arith.mulf %mul3A_87, %dot_general3A_83 : vector<100x64xf32>
    %dot_general3A_89 = arith.constant dense<0.000000e+00> : vector<100x64xf32>
    %dot_general3A_90 = tpu.matmul %add3A_41, %mul3A_88, %dot_general3A_89 {dimension_numbers = #tpu.dot_dimension_numbers<[1], [0], [0], [1], [0, 0, 1, 1], [], []>, precision = #tpu.contract_precision<fp32>, transpose_lhs_hint = false} : vector<100x100xf32>, vector<100x64xf32>, vector<100x64xf32> -> vector<100x64xf32>
    %mul3A_91 = vector.broadcast %rsqrt3A_51 : vector<100x1xf32> to vector<100x64xf32>
    %mul3A_92 = arith.mulf %mul3A_91, %dot_general3A_90 : vector<100x64xf32>
    %add3A_93 = vector.broadcast %get3A_86 : vector<1x64xf32> to vector<100x64xf32>
    %add3A_94 = arith.addf %mul3A_92, %add3A_93 : vector<100x64xf32>
    %ge3A_95 = arith.constant 0.000000e+00 : f32
    %ge3A_96 = vector.broadcast %ge3A_95 : f32 to vector<100x64xf32>
    %ge3A_97 = arith.cmpf oge, %add3A_94, %ge3A_96 : vector<100x64xf32>
    %mul3A_98 = arith.constant 0.00999999977 : f32
    %mul3A_99 = vector.broadcast %mul3A_98 : f32 to vector<100x64xf32>
    %mul3A_100 = arith.mulf %mul3A_99, %add3A_94 : vector<100x64xf32>
    %select_n3A_101 = arith.select %ge3A_97, %add3A_94, %mul3A_100 : vector<100x64xi1>, vector<100x64xf32>
    %lt3A_102 = arith.constant 50 : i32
    %lt3A_103 = vector.broadcast %lt3A_102 : i32 to vector<100x64xi32>
    %lt3A_104 = arith.cmpi slt, %iota3A_55, %lt3A_103 : vector<100x64xi32>
    %select_n3A_105 = arith.select %lt3A_104, %select_n3A_78, %select_n3A_101 : vector<100x64xi1>, vector<100x64xf32>
    %get3A_106 = arith.constant 0 : index
    %get3A_107 = arith.constant 0 : index
    %get3A_108 = vector.load %arg6[%get3A_106, %get3A_107] : memref<64x20xf32, #tpu.memory_space<vmem>>, vector<64x20xf32>
    %dot_general3A_109 = arith.constant dense<0.000000e+00> : vector<100x20xf32>
    %dot_general3A_110 = tpu.matmul %select_n3A_105, %get3A_108, %dot_general3A_109 {dimension_numbers = #tpu.dot_dimension_numbers<[1], [0], [0], [1], [0, 0, 1, 1], [], []>, transpose_lhs_hint = false} : vector<100x64xf32>, vector<64x20xf32>, vector<100x20xf32> -> vector<100x20xf32>
    %get3A_111 = arith.constant 0 : index
    %get3A_112 = arith.constant 0 : index
    %get3A_113 = vector.load %arg7[%get3A_111, %get3A_112] : memref<1x20xf32, #tpu.memory_space<vmem>>, vector<1x20xf32>
    %mul3A_114 = vector.broadcast %rsqrt3A_47 : vector<100x1xf32> to vector<100x20xf32>
    %mul3A_115 = arith.mulf %mul3A_114, %dot_general3A_110 : vector<100x20xf32>
    %dot_general3A_116 = arith.constant dense<0.000000e+00> : vector<100x20xf32>
    %dot_general3A_117 = tpu.matmul %add3A_37, %mul3A_115, %dot_general3A_116 {dimension_numbers = #tpu.dot_dimension_numbers<[1], [0], [0], [1], [0, 0, 1, 1], [], []>, precision = #tpu.contract_precision<fp32>, transpose_lhs_hint = false} : vector<100x100xf32>, vector<100x20xf32>, vector<100x20xf32> -> vector<100x20xf32>
    %mul3A_118 = vector.broadcast %rsqrt3A_47 : vector<100x1xf32> to vector<100x20xf32>
    %mul3A_119 = arith.mulf %mul3A_118, %dot_general3A_117 : vector<100x20xf32>
    %add3A_120 = vector.broadcast %get3A_113 : vector<1x20xf32> to vector<100x20xf32>
    %add3A_121 = arith.addf %mul3A_119, %add3A_120 : vector<100x20xf32>
    %ge3A_122 = arith.constant 0.000000e+00 : f32
    %ge3A_123 = vector.broadcast %ge3A_122 : f32 to vector<100x20xf32>
    %ge3A_124 = arith.cmpf oge, %add3A_121, %ge3A_123 : vector<100x20xf32>
    %mul3A_125 = arith.constant 0.00999999977 : f32
    %mul3A_126 = vector.broadcast %mul3A_125 : f32 to vector<100x20xf32>
    %mul3A_127 = arith.mulf %mul3A_126, %add3A_121 : vector<100x20xf32>
    %select_n3A_128 = arith.select %ge3A_124, %add3A_121, %mul3A_127 : vector<100x20xi1>, vector<100x20xf32>
    %get3A_129 = arith.constant 0 : index
    %get3A_130 = arith.constant 0 : index
    %get3A_131 = vector.load %arg8[%get3A_129, %get3A_130] : memref<64x20xf32, #tpu.memory_space<vmem>>, vector<64x20xf32>
    %dot_general3A_132 = arith.constant dense<0.000000e+00> : vector<100x20xf32>
    %dot_general3A_133 = tpu.matmul %select_n3A_105, %get3A_131, %dot_general3A_132 {dimension_numbers = #tpu.dot_dimension_numbers<[1], [0], [0], [1], [0, 0, 1, 1], [], []>, transpose_lhs_hint = false} : vector<100x64xf32>, vector<64x20xf32>, vector<100x20xf32> -> vector<100x20xf32>
    %get3A_134 = arith.constant 0 : index
    %get3A_135 = arith.constant 0 : index
    %get3A_136 = vector.load %arg9[%get3A_134, %get3A_135] : memref<1x20xf32, #tpu.memory_space<vmem>>, vector<1x20xf32>
    %mul3A_137 = vector.broadcast %rsqrt3A_51 : vector<100x1xf32> to vector<100x20xf32>
    %mul3A_138 = arith.mulf %mul3A_137, %dot_general3A_133 : vector<100x20xf32>
    %dot_general3A_139 = arith.constant dense<0.000000e+00> : vector<100x20xf32>
    %dot_general3A_140 = tpu.matmul %add3A_41, %mul3A_138, %dot_general3A_139 {dimension_numbers = #tpu.dot_dimension_numbers<[1], [0], [0], [1], [0, 0, 1, 1], [], []>, precision = #tpu.contract_precision<fp32>, transpose_lhs_hint = false} : vector<100x100xf32>, vector<100x20xf32>, vector<100x20xf32> -> vector<100x20xf32>
    %mul3A_141 = vector.broadcast %rsqrt3A_51 : vector<100x1xf32> to vector<100x20xf32>
    %mul3A_142 = arith.mulf %mul3A_141, %dot_general3A_140 : vector<100x20xf32>
    %add3A_143 = vector.broadcast %get3A_136 : vector<1x20xf32> to vector<100x20xf32>
    %add3A_144 = arith.addf %mul3A_142, %add3A_143 : vector<100x20xf32>
    %ge3A_145 = arith.constant 0.000000e+00 : f32
    %ge3A_146 = vector.broadcast %ge3A_145 : f32 to vector<100x20xf32>
    %ge3A_147 = arith.cmpf oge, %add3A_144, %ge3A_146 : vector<100x20xf32>
    %mul3A_148 = arith.constant 0.00999999977 : f32
    %mul3A_149 = vector.broadcast %mul3A_148 : f32 to vector<100x20xf32>
    %mul3A_150 = arith.mulf %mul3A_149, %add3A_144 : vector<100x20xf32>
    %select_n3A_151 = arith.select %ge3A_147, %add3A_144, %mul3A_150 : vector<100x20xi1>, vector<100x20xf32>
    %lt3A_152 = arith.constant 50 : i32
    %lt3A_153 = vector.broadcast %lt3A_152 : i32 to vector<100x20xi32>
    %lt3A_154 = arith.cmpi slt, %iota3A_56, %lt3A_153 : vector<100x20xi32>
    %select_n3A_155 = arith.select %lt3A_154, %select_n3A_128, %select_n3A_151 : vector<100x20xi1>, vector<100x20xf32>
    %get3A_156 = arith.constant 0 : index
    %get3A_157 = arith.constant 0 : index
    %get3A_158 = vector.load %arg10[%get3A_156, %get3A_157] : memref<20x20xf32, #tpu.memory_space<vmem>>, vector<20x20xf32>
    %dot_general3A_159 = arith.constant dense<0.000000e+00> : vector<100x20xf32>
    %dot_general3A_160 = tpu.matmul %select_n3A_155, %get3A_158, %dot_general3A_159 {dimension_numbers = #tpu.dot_dimension_numbers<[1], [0], [0], [1], [0, 0, 1, 1], [], []>, transpose_lhs_hint = false} : vector<100x20xf32>, vector<20x20xf32>, vector<100x20xf32> -> vector<100x20xf32>
    %get3A_161 = arith.constant 0 : index
    %get3A_162 = arith.constant 0 : index
    %get3A_163 = vector.load %arg11[%get3A_161, %get3A_162] : memref<1x20xf32, #tpu.memory_space<vmem>>, vector<1x20xf32>
    %mul3A_164 = vector.broadcast %rsqrt3A : vector<100x1xf32> to vector<100x20xf32>
    %mul3A_165 = arith.mulf %mul3A_164, %dot_general3A_160 : vector<100x20xf32>
    %dot_general3A_166 = arith.constant dense<0.000000e+00> : vector<100x20xf32>
    %dot_general3A_167 = tpu.matmul %add3A_22, %mul3A_165, %dot_general3A_166 {dimension_numbers = #tpu.dot_dimension_numbers<[1], [0], [0], [1], [0, 0, 1, 1], [], []>, precision = #tpu.contract_precision<fp32>, transpose_lhs_hint = false} : vector<100x100xf32>, vector<100x20xf32>, vector<100x20xf32> -> vector<100x20xf32>
    %mul3A_168 = vector.broadcast %rsqrt3A : vector<100x1xf32> to vector<100x20xf32>
    %mul3A_169 = arith.mulf %mul3A_168, %dot_general3A_167 : vector<100x20xf32>
    %add3A_170 = vector.broadcast %get3A_163 : vector<1x20xf32> to vector<100x20xf32>
    %add3A_171 = arith.addf %mul3A_169, %add3A_170 : vector<100x20xf32>
    %ge3A_172 = arith.constant 0.000000e+00 : f32
    %ge3A_173 = vector.broadcast %ge3A_172 : f32 to vector<100x20xf32>
    %ge3A_174 = arith.cmpf oge, %add3A_171, %ge3A_173 : vector<100x20xf32>
    %mul3A_175 = arith.constant 0.00999999977 : f32
    %mul3A_176 = vector.broadcast %mul3A_175 : f32 to vector<100x20xf32>
    %mul3A_177 = arith.mulf %mul3A_176, %add3A_171 : vector<100x20xf32>
    %select_n3A_178 = arith.select %ge3A_174, %add3A_171, %mul3A_177 : vector<100x20xi1>, vector<100x20xf32>
    %dot_general3A_179 = arith.constant dense<0.000000e+00> : vector<100x20xf32>
    %dot_general3A_180 = tpu.matmul %sub3A, %select_n3A_178, %dot_general3A_179 {dimension_numbers = #tpu.dot_dimension_numbers<[1], [0], [0], [1], [0, 0, 1, 1], [], []>, precision = #tpu.contract_precision<fp32>, transpose_lhs_hint = false} : vector<100x100xf32>, vector<100x20xf32>, vector<100x20xf32> -> vector<100x20xf32>
    %get3A_181 = arith.constant 0 : index
    %get3A_182 = arith.constant 0 : index
    %get3A_183 = vector.load %arg12[%get3A_181, %get3A_182] : memref<20x1xf32, #tpu.memory_space<vmem>>, vector<20x1xf32>
    %dot_general3A_184 = arith.constant dense<0.000000e+00> : vector<100x1xf32>
    %dot_general3A_185 = tpu.matmul %dot_general3A_180, %get3A_183, %dot_general3A_184 {dimension_numbers = #tpu.dot_dimension_numbers<[1], [0], [0], [1], [0, 0, 1, 1], [], []>, transpose_lhs_hint = false} : vector<100x20xf32>, vector<20x1xf32>, vector<100x1xf32> -> vector<100x1xf32>
    %get3A_186 = arith.constant 0 : index
    %get3A_187 = arith.constant 0 : index
    %get3A_188 = vector.load %arg13[%get3A_186, %get3A_187] : memref<1x1xf32, #tpu.memory_space<vmem>>, vector<1x1xf32>
    %add3A_189 = vector.broadcast %get3A_188 : vector<1x1xf32> to vector<100x1xf32>
    %add3A_190 = arith.addf %dot_general3A_185, %add3A_189 : vector<100x1xf32>
    %get3A_191 = arith.constant 0 : index
    %get3A_192 = arith.constant 0 : index
    %get3A_193 = vector.load %arg14[%get3A_191, %get3A_192] : memref<20x1xf32, #tpu.memory_space<vmem>>, vector<20x1xf32>
    %dot_general3A_194 = arith.constant dense<0.000000e+00> : vector<100x1xf32>
    %dot_general3A_195 = tpu.matmul %select_n3A_178, %get3A_193, %dot_general3A_194 {dimension_numbers = #tpu.dot_dimension_numbers<[1], [0], [0], [1], [0, 0, 1, 1], [], []>, transpose_lhs_hint = false} : vector<100x20xf32>, vector<20x1xf32>, vector<100x1xf32> -> vector<100x1xf32>
    %add3A_196 = arith.addf %add3A_190, %dot_general3A_195 : vector<100x1xf32>
    %tanh3A = math.tanh %add3A_196 : vector<100x1xf32>
    %dot_general3A_197 = arith.constant dense<0.000000e+00> : vector<1x100xf32>
    %dot_general3A_198 = tpu.matmul %tanh3A, %convert_element_type3A_21, %dot_general3A_197 {dimension_numbers = #tpu.dot_dimension_numbers<[0], [0], [1], [1], [0, 1, 1, 1], [], []>, precision = #tpu.contract_precision<fp32>, transpose_lhs_hint = false} : vector<100x1xf32>, vector<100x100xf32>, vector<1x100xf32> -> vector<1x100xf32>
    %iota3A_199 = tpu.iota {dimensions = array<i32: 0>} : vector<100x100xi32>
    %iota3A_200 = tpu.iota {dimensions = array<i32: 1>} : vector<100x100xi32>
    %gt3A = vector.broadcast %dot_general3A_198 : vector<1x100xf32> to vector<100x100xf32>
    %gt3A_201 = vector.broadcast %tanh3A : vector<100x1xf32> to vector<100x100xf32>
    %gt3A_202 = arith.cmpf ogt, %gt3A, %gt3A_201 : vector<100x100xf32>
    %eq3A_203 = vector.broadcast %dot_general3A_198 : vector<1x100xf32> to vector<100x100xf32>
    %eq3A_204 = vector.broadcast %tanh3A : vector<100x1xf32> to vector<100x100xf32>
    %eq3A_205 = arith.cmpf oeq, %eq3A_203, %eq3A_204 : vector<100x100xf32>
    %lt3A_206 = arith.cmpi slt, %iota3A_200, %iota3A_199 : vector<100x100xi32>
    %and3A_207 = arith.andi %eq3A_205, %lt3A_206 : vector<100x100xi1>
    %or3A = arith.ori %gt3A_202, %and3A_207 : vector<100x100xi1>
    %convert_element_type3A_208 = arith.extui %or3A : vector<100x100xi1> to vector<100x100xi32>
    %convert_element_type3A_209 = arith.sitofp %convert_element_type3A_208 : vector<100x100xi32> to vector<100x100xf32>
    %reduce_sum3A_210 = arith.constant dense<0.000000e+00> : vector<100xf32>
    %reduce_sum3A_211 = vector.multi_reduction <add>, %convert_element_type3A_209, %reduce_sum3A_210 [1] : vector<100x100xf32> to vector<100xf32>
    %broadcast_in_dim3A_212 = vector.shape_cast %reduce_sum3A_211 : vector<100xf32> to vector<100x1xf32>
    %dot_general3A_213 = arith.constant dense<0.000000e+00> : vector<1x100xf32>
    %dot_general3A_214 = tpu.matmul %broadcast_in_dim3A_212, %convert_element_type3A_21, %dot_general3A_213 {dimension_numbers = #tpu.dot_dimension_numbers<[0], [0], [1], [1], [0, 1, 1, 1], [], []>, precision = #tpu.contract_precision<fp32>, transpose_lhs_hint = false} : vector<100x1xf32>, vector<100x100xf32>, vector<1x100xf32> -> vector<1x100xf32>
    %iota3A_215 = tpu.iota {dimensions = array<i32: 0>} : vector<50x100xi32>
    %convert_element_type3A_216 = arith.sitofp %iota3A_215 : vector<50x100xi32> to vector<50x100xf32>
    %eq3A_217 = vector.broadcast %dot_general3A_214 : vector<1x100xf32> to vector<50x100xf32>
    %eq3A_218 = arith.cmpf oeq, %eq3A_217, %convert_element_type3A_216 : vector<50x100xf32>
    %convert_element_type3A_219 = arith.extui %eq3A_218 : vector<50x100xi1> to vector<50x100xi32>
    %convert_element_type3A_220 = arith.sitofp %convert_element_type3A_219 : vector<50x100xi32> to vector<50x100xf32>
    %dot_general3A_221 = arith.constant dense<0.000000e+00> : vector<50x1xf32>
    %dot_general3A_222 = tpu.matmul %convert_element_type3A_220, %tanh3A, %dot_general3A_221 {dimension_numbers = #tpu.dot_dimension_numbers<[1], [0], [0], [1], [0, 0, 1, 1], [], []>, precision = #tpu.contract_precision<fp32>, transpose_lhs_hint = false} : vector<50x100xf32>, vector<100x1xf32>, vector<50x1xf32> -> vector<50x1xf32>
    %dot_general3A_223 = arith.constant dense<0.000000e+00> : vector<50x20xf32>
    %dot_general3A_224 = tpu.matmul %convert_element_type3A_220, %select_n3A_178, %dot_general3A_223 {dimension_numbers = #tpu.dot_dimension_numbers<[1], [0], [0], [1], [0, 0, 1, 1], [], []>, precision = #tpu.contract_precision<fp32>, transpose_lhs_hint = false} : vector<50x100xf32>, vector<100x20xf32>, vector<50x20xf32> -> vector<50x20xf32>
    %mul3A_225 = vector.broadcast %dot_general3A_222 : vector<50x1xf32> to vector<50x20xf32>
    %mul3A_226 = arith.mulf %dot_general3A_224, %mul3A_225 : vector<50x20xf32>
    %dot_general3A_227 = arith.constant dense<0.000000e+00> : vector<50x100xf32>
    %dot_general3A_228 = tpu.matmul %convert_element_type3A_220, %sub3A, %dot_general3A_227 {dimension_numbers = #tpu.dot_dimension_numbers<[1], [0], [0], [1], [0, 0, 1, 1], [], []>, precision = #tpu.contract_precision<fp32>, transpose_lhs_hint = false} : vector<50x100xf32>, vector<100x100xf32>, vector<50x100xf32> -> vector<50x100xf32>
    %dot_general3A_229 = arith.constant dense<0.000000e+00> : vector<50x50xf32>
    %dot_general3A_230 = tpu.matmul %dot_general3A_228, %convert_element_type3A_220, %dot_general3A_229 {dimension_numbers = #tpu.dot_dimension_numbers<[1], [1], [0], [0], [0, 0, 1, 0], [], []>, precision = #tpu.contract_precision<fp32>, transpose_lhs_hint = false} : vector<50x100xf32>, vector<50x100xf32>, vector<50x50xf32> -> vector<50x50xf32>
    %reduce_sum3A_231 = arith.constant dense<0.000000e+00> : vector<50xf32>
    %reduce_sum3A_232 = vector.multi_reduction <add>, %dot_general3A_230, %reduce_sum3A_231 [1] : vector<50x50xf32> to vector<50xf32>
    %broadcast_in_dim3A_233 = vector.shape_cast %reduce_sum3A_232 : vector<50xf32> to vector<50x1xf32>
    %gt3A_234 = arith.constant 0.000000e+00 : f32
    %gt3A_235 = vector.broadcast %gt3A_234 : f32 to vector<50x1xf32>
    %gt3A_236 = arith.cmpf ogt, %broadcast_in_dim3A_233, %gt3A_235 : vector<50x1xf32>
    %gt3A_237 = arith.constant 0.000000e+00 : f32
    %gt3A_238 = vector.broadcast %gt3A_237 : f32 to vector<50x1xf32>
    %gt3A_239 = arith.cmpf ogt, %broadcast_in_dim3A_233, %gt3A_238 : vector<50x1xf32>
    %jit3A_240 = arith.constant 1.000000e+00 : f32
    %broadcast_in_dim3A_241 = vector.broadcast %jit3A_240 : f32 to vector<50x1xf32>
    %select_n3A_242 = arith.select %gt3A_239, %broadcast_in_dim3A_233, %broadcast_in_dim3A_241 : vector<50x1xi1>, vector<50x1xf32>
    %rsqrt3A_243 = math.rsqrt %select_n3A_242 : vector<50x1xf32>
    %jit3A_244 = arith.constant 0.000000e+00 : f32
    %broadcast_in_dim3A_245 = vector.broadcast %jit3A_244 : f32 to vector<50x1xf32>
    %select_n3A_246 = arith.select %gt3A_236, %rsqrt3A_243, %broadcast_in_dim3A_245 : vector<50x1xi1>, vector<50x1xf32>
    %slice3A_247 = vector.extract_strided_slice %select_n3A_178 {offsets = [0, 0], sizes = [50, 20], strides = [1, 1]} : vector<100x20xf32> to vector<50x20xf32>
    %slice3A_248 = vector.extract_strided_slice %select_n3A_178 {offsets = [50, 0], sizes = [50, 20], strides = [1, 1]} : vector<100x20xf32> to vector<50x20xf32>
    %mul3A_249 = vector.broadcast %select_n3A_246 : vector<50x1xf32> to vector<50x20xf32>
    %mul3A_250 = arith.mulf %mul3A_249, %slice3A_247 : vector<50x20xf32>
    %dot_general3A_251 = arith.constant dense<0.000000e+00> : vector<50x20xf32>
    %dot_general3A_252 = tpu.matmul %dot_general3A_230, %mul3A_250, %dot_general3A_251 {dimension_numbers = #tpu.dot_dimension_numbers<[1], [0], [0], [1], [0, 0, 1, 1], [], []>, precision = #tpu.contract_precision<fp32>, transpose_lhs_hint = false} : vector<50x50xf32>, vector<50x20xf32>, vector<50x20xf32> -> vector<50x20xf32>
    %mul3A_253 = vector.broadcast %select_n3A_246 : vector<50x1xf32> to vector<50x20xf32>
    %mul3A_254 = arith.mulf %mul3A_253, %dot_general3A_252 : vector<50x20xf32>
    %neg3A = arith.constant 0.000000e+00 : f32
    %neg3A_255 = vector.broadcast %neg3A : f32 to vector<50x20xf32>
    %neg3A_256 = arith.subf %neg3A_255, %mul3A_254 : vector<50x20xf32>
    %mul3A_257 = vector.broadcast %select_n3A_246 : vector<50x1xf32> to vector<50x20xf32>
    %mul3A_258 = arith.mulf %mul3A_257, %neg3A_256 : vector<50x20xf32>
    %dot_general3A_259 = arith.constant dense<0.000000e+00> : vector<50x20xf32>
    %dot_general3A_260 = tpu.matmul %dot_general3A_230, %mul3A_258, %dot_general3A_259 {dimension_numbers = #tpu.dot_dimension_numbers<[1], [0], [0], [1], [0, 0, 1, 1], [], []>, precision = #tpu.contract_precision<fp32>, transpose_lhs_hint = false} : vector<50x50xf32>, vector<50x20xf32>, vector<50x20xf32> -> vector<50x20xf32>
    %mul3A_261 = vector.broadcast %select_n3A_246 : vector<50x1xf32> to vector<50x20xf32>
    %mul3A_262 = arith.mulf %mul3A_261, %dot_general3A_260 : vector<50x20xf32>
    %neg3A_263 = arith.constant 0.000000e+00 : f32
    %neg3A_264 = vector.broadcast %neg3A_263 : f32 to vector<50x20xf32>
    %neg3A_265 = arith.subf %neg3A_264, %mul3A_262 : vector<50x20xf32>
    %mul3A_266 = arith.constant 2.000000e+00 : f32
    %mul3A_267 = vector.broadcast %mul3A_266 : f32 to vector<50x20xf32>
    %mul3A_268 = arith.mulf %mul3A_267, %neg3A_265 : vector<50x20xf32>
    %sub3A_269 = arith.subf %mul3A_268, %slice3A_247 : vector<50x20xf32>
    %broadcast_in_dim3A_270 = arith.constant 0.000000e+00 : f32
    %broadcast_in_dim3A_271 = vector.broadcast %broadcast_in_dim3A_270 : f32 to vector<50x20xf32>
    %concatenate3A = tpu.concatenate %neg3A_256, %broadcast_in_dim3A_271 in 0 : vector<50x20xf32>, vector<50x20xf32> -> vector<100x20xf32>
    %neg3A_272 = arith.constant 0.000000e+00 : f32
    %neg3A_273 = vector.broadcast %neg3A_272 : f32 to vector<50x20xf32>
    %neg3A_274 = arith.subf %neg3A_273, %slice3A_248 : vector<50x20xf32>
    %concatenate3A_275 = tpu.concatenate %sub3A_269, %neg3A_274 in 0 : vector<50x20xf32>, vector<50x20xf32> -> vector<100x20xf32>
    %get3A_276 = arith.constant 0 : index
    %get3A_277 = arith.constant 0 : index
    %get3A_278 = vector.load %arg15[%get3A_276, %get3A_277] : memref<20x50xf32, #tpu.memory_space<vmem>>, vector<20x50xf32>
    %dot_general3A_279 = arith.constant dense<0.000000e+00> : vector<100x50xf32>
    %dot_general3A_280 = tpu.matmul %select_n3A_178, %get3A_278, %dot_general3A_279 {dimension_numbers = #tpu.dot_dimension_numbers<[1], [0], [0], [1], [0, 0, 1, 1], [], []>, transpose_lhs_hint = false} : vector<100x20xf32>, vector<20x50xf32>, vector<100x50xf32> -> vector<100x50xf32>
    %get3A_281 = arith.constant 0 : index
    %get3A_282 = arith.constant 0 : index
    %get3A_283 = vector.load %arg16[%get3A_281, %get3A_282] : memref<20x50xf32, #tpu.memory_space<vmem>>, vector<20x50xf32>
    %dot_general3A_284 = arith.constant dense<0.000000e+00> : vector<100x50xf32>
    %dot_general3A_285 = tpu.matmul %concatenate3A, %get3A_283, %dot_general3A_284 {dimension_numbers = #tpu.dot_dimension_numbers<[1], [0], [0], [1], [0, 0, 1, 1], [], []>, transpose_lhs_hint = false} : vector<100x20xf32>, vector<20x50xf32>, vector<100x50xf32> -> vector<100x50xf32>
    %add3A_286 = arith.addf %dot_general3A_280, %dot_general3A_285 : vector<100x50xf32>
    %get3A_287 = arith.constant 0 : index
    %get3A_288 = arith.constant 0 : index
    %get3A_289 = vector.load %arg17[%get3A_287, %get3A_288] : memref<20x50xf32, #tpu.memory_space<vmem>>, vector<20x50xf32>
    %dot_general3A_290 = arith.constant dense<0.000000e+00> : vector<100x50xf32>
    %dot_general3A_291 = tpu.matmul %concatenate3A_275, %get3A_289, %dot_general3A_290 {dimension_numbers = #tpu.dot_dimension_numbers<[1], [0], [0], [1], [0, 0, 1, 1], [], []>, transpose_lhs_hint = false} : vector<100x20xf32>, vector<20x50xf32>, vector<100x50xf32> -> vector<100x50xf32>
    %add3A_292 = arith.addf %add3A_286, %dot_general3A_291 : vector<100x50xf32>
    %get3A_293 = arith.constant 0 : index
    %get3A_294 = arith.constant 0 : index
    %get3A_295 = vector.load %arg18[%get3A_293, %get3A_294] : memref<1x50xf32, #tpu.memory_space<vmem>>, vector<1x50xf32>
    %add3A_296 = vector.broadcast %get3A_295 : vector<1x50xf32> to vector<100x50xf32>
    %add3A_297 = arith.addf %add3A_292, %add3A_296 : vector<100x50xf32>
    %reduce_max3A = arith.constant dense<0xFF800000> : vector<100xf32>
    %reduce_max3A_298 = vector.multi_reduction <maximumf>, %add3A_297, %reduce_max3A [1] : vector<100x50xf32> to vector<100xf32>
    %broadcast_in_dim3A_299 = vector.shape_cast %reduce_max3A_298 : vector<100xf32> to vector<100x1xf32>
    %sub3A_300 = vector.broadcast %broadcast_in_dim3A_299 : vector<100x1xf32> to vector<100x50xf32>
    %sub3A_301 = arith.subf %add3A_297, %sub3A_300 : vector<100x50xf32>
    %exp3A = math.exp %sub3A_301 : vector<100x50xf32>
    %reduce_sum3A_302 = arith.constant dense<0.000000e+00> : vector<100xf32>
    %reduce_sum3A_303 = vector.multi_reduction <add>, %exp3A, %reduce_sum3A_302 [1] : vector<100x50xf32> to vector<100xf32>
    %broadcast_in_dim3A_304 = vector.shape_cast %reduce_sum3A_303 : vector<100xf32> to vector<100x1xf32>
    %div3A = vector.broadcast %broadcast_in_dim3A_304 : vector<100x1xf32> to vector<100x50xf32>
    %div3A_305 = arith.divf %exp3A, %div3A : vector<100x50xf32>
    %reduce_max3A_306 = arith.constant dense<0xFF800000> : vector<100xf32>
    %reduce_max3A_307 = vector.multi_reduction <maximumf>, %div3A_305, %reduce_max3A_306 [1] : vector<100x50xf32> to vector<100xf32>
    %broadcast_in_dim3A_308 = vector.shape_cast %reduce_max3A_307 : vector<100xf32> to vector<100x1xf32>
    %sub3A_309 = vector.broadcast %broadcast_in_dim3A_308 : vector<100x1xf32> to vector<100x50xf32>
    %sub3A_310 = arith.subf %div3A_305, %sub3A_309 : vector<100x50xf32>
    %exp3A_311 = math.exp %sub3A_310 : vector<100x50xf32>
    %reduce_sum3A_312 = arith.constant dense<0.000000e+00> : vector<100xf32>
    %reduce_sum3A_313 = vector.multi_reduction <add>, %exp3A_311, %reduce_sum3A_312 [1] : vector<100x50xf32> to vector<100xf32>
    %broadcast_in_dim3A_314 = vector.shape_cast %reduce_sum3A_313 : vector<100xf32> to vector<100x1xf32>
    %div3A_315 = vector.broadcast %broadcast_in_dim3A_314 : vector<100x1xf32> to vector<100x50xf32>
    %div3A_316 = arith.divf %exp3A_311, %div3A_315 : vector<100x50xf32>
    %dot_general3A_317 = arith.constant dense<0.000000e+00> : vector<50x20xf32>
    %dot_general3A_318 = tpu.matmul %div3A_316, %select_n3A_178, %dot_general3A_317 {dimension_numbers = #tpu.dot_dimension_numbers<[0], [0], [1], [1], [0, 1, 1, 1], [], []>, transpose_lhs_hint = false} : vector<100x50xf32>, vector<100x20xf32>, vector<50x20xf32> -> vector<50x20xf32>
    %lt3A_319 = arith.constant 5.000000e+01 : f32
    %lt3A_320 = vector.broadcast %lt3A_319 : f32 to vector<100x1xf32>
    %lt3A_321 = arith.cmpf olt, %broadcast_in_dim3A_212, %lt3A_320 : vector<100x1xf32>
    %convert_element_type3A_322 = arith.extui %lt3A_321 : vector<100x1xi1> to vector<100x1xi32>
    %convert_element_type3A_323 = arith.sitofp %convert_element_type3A_322 : vector<100x1xi32> to vector<100x1xf32>
    %lt3A_324 = arith.cmpi slt, %iota3A_200, %iota3A_199 : vector<100x100xi32>
    %convert_element_type3A_325 = arith.extui %lt3A_324 : vector<100x100xi1> to vector<100x100xi32>
    %convert_element_type3A_326 = arith.sitofp %convert_element_type3A_325 : vector<100x100xi32> to vector<100x100xf32>
    %dot_general3A_327 = arith.constant dense<0.000000e+00> : vector<100x1xf32>
    %dot_general3A_328 = tpu.matmul %convert_element_type3A_326, %convert_element_type3A_323, %dot_general3A_327 {dimension_numbers = #tpu.dot_dimension_numbers<[1], [0], [0], [1], [0, 0, 1, 1], [], []>, precision = #tpu.contract_precision<fp32>, transpose_lhs_hint = false} : vector<100x100xf32>, vector<100x1xf32>, vector<100x1xf32> -> vector<100x1xf32>
    %dot_general3A_329 = arith.constant dense<0.000000e+00> : vector<1x100xf32>
    %dot_general3A_330 = tpu.matmul %dot_general3A_328, %convert_element_type3A_21, %dot_general3A_329 {dimension_numbers = #tpu.dot_dimension_numbers<[0], [0], [1], [1], [0, 1, 1, 1], [], []>, precision = #tpu.contract_precision<fp32>, transpose_lhs_hint = false} : vector<100x1xf32>, vector<100x100xf32>, vector<1x100xf32> -> vector<1x100xf32>
    %lt3A_331 = arith.constant 5.000000e+01 : f32
    %lt3A_332 = vector.broadcast %lt3A_331 : f32 to vector<1x100xf32>
    %lt3A_333 = arith.cmpf olt, %dot_general3A_214, %lt3A_332 : vector<1x100xf32>
    %iota3A_334 = tpu.iota {dimensions = array<i32: 0>} : vector<50x100xi32>
    %convert_element_type3A_335 = arith.sitofp %iota3A_334 : vector<50x100xi32> to vector<50x100xf32>
    %eq3A_336 = vector.broadcast %dot_general3A_330 : vector<1x100xf32> to vector<50x100xf32>
    %eq3A_337 = arith.cmpf oeq, %eq3A_336, %convert_element_type3A_335 : vector<50x100xf32>
    %and3A_338 = vector.broadcast %lt3A_333 : vector<1x100xi1> to vector<50x100xi1>
    %and3A_339 = arith.andi %eq3A_337, %and3A_338 : vector<50x100xi1>
    %convert_element_type3A_340 = arith.extui %and3A_339 : vector<50x100xi1> to vector<50x100xi32>
    %convert_element_type3A_341 = arith.sitofp %convert_element_type3A_340 : vector<50x100xi32> to vector<50x100xf32>
    %dot_general3A_342 = arith.constant dense<0.000000e+00> : vector<50x50xf32>
    %dot_general3A_343 = tpu.matmul %convert_element_type3A_341, %div3A_305, %dot_general3A_342 {dimension_numbers = #tpu.dot_dimension_numbers<[1], [0], [0], [1], [0, 0, 1, 1], [], []>, precision = #tpu.contract_precision<fp32>, transpose_lhs_hint = false} : vector<50x100xf32>, vector<100x50xf32>, vector<50x50xf32> -> vector<50x50xf32>
    %dot_general3A_344 = arith.constant dense<0.000000e+00> : vector<50x20xf32>
    %dot_general3A_345 = tpu.matmul %dot_general3A_343, %dot_general3A_318, %dot_general3A_344 {dimension_numbers = #tpu.dot_dimension_numbers<[1], [0], [0], [1], [0, 0, 1, 1], [], []>, transpose_lhs_hint = false} : vector<50x50xf32>, vector<50x20xf32>, vector<50x20xf32> -> vector<50x20xf32>
    %add3A_346 = arith.addf %mul3A_226, %dot_general3A_345 : vector<50x20xf32>
    %swap3A = arith.constant 0 : index
    %swap3A_347 = arith.constant 0 : index
    %swap3A_348 = vector.load %arg19[%swap3A, %swap3A_347] : memref<50x20xf32, #tpu.memory_space<vmem>>, vector<50x20xf32>
    tpu.vector_store %arg19[%swap3A, %swap3A_347], %add3A_346 {strides = array<i32>} : memref<50x20xf32, #tpu.memory_space<vmem>>, vector<50x20xf32>,
    return
  }
}

</mosaic_0001>

<sc_bundles>
// kernel: kernel.4.cloned.1.call-start
scs
__scs_entry_jumppad:
0x0: {  	(pc) =	sbr.rel $0x88, $3  }
0x1: {  	(tag) =	ssettag $0x0;
	lr =	simm.s32 $0x1  }
0x2: {  	[smem:$0x3F8D] =	sst lr;
	_ =	strace $0xD0000000  }
0x3: {  	_ = 	snop  }
0x4: {  	_ = 	snop  }
0x5: {  	_ = 	snop  }
0x6: {  	_ = 	snop  }
0x7: {  	_ = 	snop  }
__scs_overlays_trampoline_lowered:
0x8: {  	[smem:$0x3F9C] =	sst s0  }
0x9: {  	[smem:$0x3F9D] =	sst s1  }
0xa: {  	[smem:$0x3F9E] =	sst s2  }
0xb: {  	[smem:$0x3F9F] =	sst s3  }
0xc: {  	[smem:$0x3FA0] =	sst s4  }
0xd: {  	[smem:$0x3FA1] =	sst s5  }
0xe: {  	[smem:$0x3FA2] =	sst s6  }
0xf: {  	[smem:$0x3FA3] =	sst s7  }
0x10: {  	[smem:$0x3FA4] =	sst s8  }
0x11: {  	[smem:$0x3FA5] =	sst s9;
	s0 =	simm.s32 @!p0 $0x0  }
0x12: {  	s1 =	sld [smem:$0x3F8B];
	s0 =	simm.s32 @p0 $0x1  }
0x13: {  	[smem:$0x3FA6] =	sst s0;
	s0 =	simm.s32 @!p1 $0x0  }
0x14: {  	s2 =	sld [smem:$0x3F8A];
	s0 =	simm.s32 @p1 $0x1  }
0x15: {  	[smem:$0x3FA7] =	sst s0;
	s0 =	simm.s32 @!p2 $0x0  }
0x16: {  	s3 =	sld [smem:$0x3FDB];
	s0 =	simm.s32 @p2 $0x1  }
0x17: {  	s4 =	simm.s32 $0x1BF5;
	[smem:$0x3FA9] =	sst s0  }
0x18: {  	s0 =	sld [smem:$0x3F8C];
	_ =	swait.ge [sflag:s4], $0x0  }
0x19: {  	s7 =	sld [smem:$0x3F8D]  }
0x1a: {  	s8 =	sadd.s32 $0xFFFFE003, lr  }
0x1b: {  	s9 =	sadd.s32 $0xFFFFFEF7, lr;
	s5 =	simm.s32 $0xFFFFFFFF;
	p2 =	slt.u32 s8, $0xFFFFF086  }
0x1c: {  	p1 =	slt.u32 s9, $0xF7A;
	s5 =	simm.s32 @!p2 $0x0  }
0x1d: {  	s5 =	simm.s32 @p1 $0x1;
	p0 =	seq.s32 s7, s2  }
0x1e: {  	s7 =	smul.u32 @!p0 $0xF7A, s2;
	p2 =	seq.s32 @!p0 s5, $0x0  }
0x1f: {  	s9 =	smul.u32 $0xF7A, s1;
	s8 =	simm.s32 @!p0 $0x1BF5;
	p2 =	por !p2, p0  }
0x20: {  	[sflag:s8] =	ssyncset.s32 @!p0 $0xFFFFF086;
	s6 =	sadd.s32 @!p0 s3, s7;
	s7 =	simm.s32 @!p0 $0x108  }
0x21: {  	s3 =	sadd.s32 s3, s9;
	s6 =	sadd.s32 @!p0 $0x88, s6;
	s7 =	simm.s32 @p2 $0x1082  }
0x22: {  	[simem:s7], [sflag:s8] =	dma.local @!p0 [hbm:s6], $0xF7A  }
0x23: {  	s9 =	sor.u32 $0xD0000000, s2;
	s6 =	simm.s32 $0x108;
	_ =	swait.ge @!p0 [sflag:s8], $0x0  }
0x24: {  	s3 =	sadd.s32 $0x88, s3;
	s6 =	simm.s32 @!p1 $0x1082;
	[sflag:s4] =	ssyncset.s32 $0xFFFFF086  }
0x25: {  	[simem:s6], [sflag:s4] =	dma.local [hbm:s3], $0xF7A  }
0x26: {  	[smem:$0x3F8D] =	sst s1;
	(tag) =	ssettag s2;
	_ =	strace s9  }
0x27: {  	s1 =	sld [smem:$0x3F9D]  }
0x28: {  	s2 =	sld [smem:$0x3F9E]  }
0x29: {  	s4 =	sld [smem:$0x3FA0]  }
0x2a: {  	p0 =	seq.s32 s5, $0x0;
	s5 =	sld [smem:$0x3FA1]  }
0x2b: {  	s6 =	sld [smem:$0x3FA2]  }
0x2c: {  	s7 =	sld [smem:$0x3FA3]  }
0x2d: {  	s3 =	simm.s32 $0x108;
	s8 =	sld [smem:$0x3FA4]  }
0x2e: {  	s3 =	simm.s32 @!p0 $0x1082;
	s9 =	sld [smem:$0x3FA5]  }
0x2f: {  	lr =	sadd.s32 s0, s3;
	s0 =	sld [smem:$0x3F9C]  }
0x30: {  	s3 =	sld [smem:$0x3F9F]  }
0x31: {  	[smem:$0x3FA8] =	sst s10  }
0x32: {  	s10 =	sld [smem:$0x3FA6];
	_ =	sdelay $0x3  }
0x33: {  	p0 =	seq.s32 s10, $0x1;
	s10 =	sld [smem:$0x3FA8];
	_ =	sdelay $0x3  }
0x34: {  	[smem:$0x3FA8] =	sst s10  }
0x35: {  	s10 =	sld [smem:$0x3FA7];
	_ =	sdelay $0x3  }
0x36: {  	p1 =	seq.s32 s10, $0x1;
	s10 =	sld [smem:$0x3FA8];
	_ =	sdelay $0x3  }
0x37: {  	[smem:$0x3FA8] =	sst s10  }
0x38: {  	s10 =	sld [smem:$0x3FA9]  }
0x39: {  	_ = 	snop;
	(pc) =	sbr.ind lr, $3  }
0x3a: {  	_ = 	snop  }
0x3b: {  	_ = 	snop  }
0x3c: {  	p2 =	seq.s32 s10, $0x1;
	s10 =	sld [smem:$0x3FA8]  }
0x3d: {  	_ =	shalt  }
0x3e: {  	_ =	shalt  }
0x3f: {  	_ =	shalt  }
0x40: {  	_ =	shalt  }
0x41: {  	_ =	shalt  }
0x42: {  	_ =	shalt  }
0x43: {  	_ =	shalt  }
0x44: {  	_ =	shalt  }
0x45: {  	_ =	shalt  }
0x46: {  	_ =	shalt  }
0x47: {  	_ =	shalt  }
0x48: {  	_ =	shalt  }
0x49: {  	_ =	shalt  }
0x4a: {  	_ =	shalt  }
0x4b: {  	_ =	shalt  }
0x4c: {  	_ =	shalt  }
0x4d: {  	_ =	shalt  }
0x4e: {  	_ =	shalt  }
0x4f: {  	_ =	shalt  }
0x50: {  	_ =	shalt  }
0x51: {  	_ =	shalt  }
0x52: {  	_ =	shalt  }
0x53: {  	_ =	shalt  }
0x54: {  	_ =	shalt  }
0x55: {  	_ =	shalt  }
0x56: {  	_ =	shalt  }
0x57: {  	_ =	shalt  }
0x58: {  	_ =	shalt  }
0x59: {  	_ =	shalt  }
0x5a: {  	_ =	shalt  }
0x5b: {  	_ =	shalt  }
0x5c: {  	_ =	shalt  }
0x5d: {  	_ =	shalt  }
0x5e: {  	_ =	shalt  }
0x5f: {  	_ =	shalt  }
0x60: {  	_ =	shalt  }
0x61: {  	_ =	shalt  }
0x62: {  	_ =	shalt  }
0x63: {  	_ =	shalt  }
0x64: {  	_ =	shalt  }
0x65: {  	_ =	shalt  }
0x66: {  	_ =	shalt  }
0x67: {  	_ =	shalt  }
0x68: {  	_ =	shalt  }
0x69: {  	_ =	shalt  }
0x6a: {  	_ =	shalt  }
0x6b: {  	_ =	shalt  }
0x6c: {  	_ =	shalt  }
0x6d: {  	_ =	shalt  }
0x6e: {  	_ =	shalt  }
0x6f: {  	_ =	shalt  }
0x70: {  	_ =	shalt  }
0x71: {  	_ =	shalt  }
0x72: {  	_ =	shalt  }
0x73: {  	_ =	shalt  }
0x74: {  	_ =	shalt  }
0x75: {  	_ =	shalt  }
0x76: {  	_ =	shalt  }
0x77: {  	_ =	shalt  }
0x78: {  	_ =	shalt  }
0x79: {  	_ =	shalt  }
0x7a: {  	_ =	shalt  }
0x7b: {  	_ =	shalt  }
0x7c: {  	_ =	shalt  }
0x7d: {  	_ =	shalt  }
0x7e: {  	_ =	shalt  }
0x7f: {  	_ =	shalt  }
0x80: {  	_ =	shalt  }
0x81: {  	_ =	shalt  }
0x82: {  	_ =	shalt  }
0x83: {  	_ =	shalt  }
0x84: {  	_ =	shalt  }
0x85: {  	_ =	shalt  }
0x86: {  	_ =	shalt  }
0x87: {  	_ =	shalt  }
.Lfunc_end0:
.L_simem_size_0:
called_computation_lowered:
.L_overlay_start_0:
0x88: {  	s2 =	sld [smem:$0x3FD9]  }
0x89: {  	s3 =	sld [smem:$0x3FFE];
	_ =	sdelay $0x1  }
0x8a: {  	s1 =	srdreg.scid  }
0x8b: {  	s0 =	sand.u32 $0x1, s1  }
0x8c: {  	s16 =	sshll.u32 s0, $0xA;
	s2 =	sadd.s32 s3, s2  }
0x8d: {  	s2 =	sadd.s32 s2, s16  }
0x8e: {  	[smem:$0x3FB4] =	sst s2  }
0x8f: {  	_ = 	snop  }
0x90: {  	(tm) =	ssettm $0x1  }
0x91: {  	s17 =	sld [smem:$0x3FFB];
	_ =	sdelay $0x3  }
0x92: {  	_ =	strace s17  }
0x93: {  	s2 =	sld [smem:$0x3FFC];
	_ =	sdelay $0x3  }
0x94: {  	_ =	strace s2  }
0x95: {  	s2 =	sld [smem:$0x3FFD];
	_ =	sdelay $0x3  }
0x96: {  	_ =	strace s2  }
0x97: {  	_ =	strace $0x8FFFFFFF  }
0x98: {  	s18 =	sld [smem:$0x3FDB];
	_ =	sdelay $0x1  }
0x99: {  	s19 =	simm.s32 $_scs_section_size  }
0x9a: {  	s4 =	simm.s32 $_size__tile_overlayer_lowered;
	s5 =	simm.s32 $_tile_overlayer_lowered  }
0x9b: {  	s22 =	simm.s32 $0x1BFF;
	s21 =	sshll.u32 s5, $0x1;
	s2 =	sadd.s32 s19, s18  }
0x9c: {  	s6 =	simm.s32 $0x0;
	s20 =	sshll.u32 s4, $0x1;
	s4 =	sadd.s32 s21, s2  }
0x9d: {  	[timem:s6], [sflag:s22] =	dma.local [hbm:s4], s20  }
0x9e: {  	_ =	swait.ge [sflag:s22], s20  }
0x9f: {  	s3 =	ssub.s32 $0x0, s20;
	[sflag:s22] =	ssyncset.done $0x0  }
0xa0: {  	[sflag:s22] =	ssyncadd.s32 s3;
	_ =	sdelay $0x1  }
0xa1: {  	s23 =	simm.s32 $0x1B8B  }
0xa2: {  	_ =	swait.ge [sflag:s23], $0x1  }
0xa3: {  	[sflag:s23] =	ssyncset.done $0x0  }
0xa4: {  	s25 =	simm.s32 $0x1B8E;
	s24 =	sld [smem:$0x3FFE];
	[sflag:s23] =	ssyncadd.s32 $0xFFFFFFFF  }
0xa5: {  	s26 =	simm.s32 $execute0_lowered;
	[smem:$0x3FD2] =	sst s25  }
0xa6: {  	s4 =	sshll.u32 s26, $0x1;
	_ =	strace $0x80000046;
	[dreg:$0x1] =	wrdreg $0xFFFFFFFF  }
0xa7: {  	s28 =	simm.s32 $_size_execute0_lowered;
	s2 =	sadd.s32 s2, s4;
	[dreg:$0x0] =	wrdreg $0x0  }
0xa8: {  	s4 =	sshll.u32 s28, $0x1;
	[dreg:$0x2] =	wrdreg s2  }
0xa9: {  	[dreg:$0x3] =	wrdreg s4  }
0xaa: {  	[dreg:$0x4] =	wrdreg $0xC0  }
0xab: {  	_ =	task [dreg:s6], $0x5FFFF  }
0xac: {  	[dreg:$0x1] =	wrdreg $0xFFFFFFFF  }
0xad: {  	[dreg:$0x0] =	wrdreg $0x60  }
0xae: {  	[dreg:$0x2] =	wrdreg s24  }
0xaf: {  	[dreg:$0x3] =	wrdreg $0x3000  }
0xb0: {  	[dreg:$0x4] =	wrdreg $0x9  }
0xb1: {  	_ =	task.clear_ibuf [dreg:s6], $0x5FFFF;
	_ =	strace $0x90000046  }
0xb2: {  	s29 =	simm.s32 $0x9;
	_ =	strace $0x80000048  }
0xb3: {  	_ =	swait.ge [sflag:s29], $0x1  }
0xb4: {  	[sflag:s29] =	ssyncadd.s32 $0xFFFFFFFF  }
0xb5: {  	_ =	strace $0x90000048  }
0xb6: {  	_ =	sfence  }
0xb7: {  	s30 =	sld [smem:$0x0];
	_ =	sdelay $0x2  }
0xb8: {  	s31 =	sshll.u32 s1, $0xD;
	s1 =	sshrl.u32 s1, $0x2  }
0xb9: {  	s3 =	sand.u32 $0x4000, s31;
	s1 =	sadd.s32 s1, s30  }
0xba: {  	s0 =	sor.u32 s3, s0;
	s1 =	sshll.u32 s1, $0x11  }
0xbb: {  	s0 =	sor.u32 s1, s0  }
0xbc: {  	s0 =	sadd.s32 $0x8F2B, s0  }
0xbd: {  	[sflag:s0] =	ssyncadd.remote.s32 $0x1  }
0xbe: {  	_ =	sfence.sel $0xFFFF  }
0xbf: {  	[dreg:$0x0] =	wrdreg $0xFFFFFFFF;
	(pc) =	sbr.abs _section_cstart, $3  }
0xc0: {  	[dreg:$0x1] =	wrdreg $0xFFFFFFFF  }
0xc1: {  	_ =	task.clear_ibuf [dreg:s6], $0x2FFFF;
	_ =	strace $0x9FFFFFFF  }
0xc2: {  	(tm) =	ssettm $0x7FFFFFFF  }
0xc3: {  	_ =	shalt  }
tec
execute0_lowered:
.L_overlay_start_1:
0x0: {  	(tag) =	ssettag $0x1  }
0x1: {  	s0 =	srdreg.scid  }
0x2: {  	s2 =	rddreg [dreg:$0x0];
	s3 =	stileid.u32;
	s4 =	sand.u32 $0x1, s0  }
0x3: {  	s1 =	rddreg [dreg:$0x1];
	s7 =	sshll.u32 s3, $0x4;
	s6 =	sshll.u32 s4, $0x8  }
0x4: {  	s5 =	simm.s32 $0x0;
	s0 =	rddreg [dreg:$0x2];
	s6 =	sor.u32 s7, s6  }
0x5: {  	[smem:$0x7FF] =	sst s5;
	s12 =	sadd.s32 s6, s2  }
0x6: {  	_ =	strace $0x80000047;
	s7 =	simm.s32 $0x1;
	s6 =	sadd.s32 $0x2C00, s12  }
0x7: {  	[tilespmem:s5], [sflag:$0x1] =	stream.linear.gather [hbm4b:s6+s5], $0x80, $0x38;
	[tilespmem:$0x940] =	vst v63  }
0x8: {  	_ =	swait.ge [sflag:s7], $0x80  }
0x9: {  	[sflag:s7] =	ssyncset.done $0x0  }
0xa: {  	s9 =	simm.s32 $0x80;
	s8 =	sadd.s32 $0x2E00, s12;
	[sflag:s7] =	ssyncadd.s32 $0xFFFFFF80  }
0xb: {  	[tilespmem:s9], [sflag:$0x1] =	stream.linear.gather [hbm4b:s8+s5], $0x80, $0x38;
	[tilespmem:$0x940] =	vst v63  }
0xc: {  	_ =	swait.ge [sflag:s7], $0x80  }
0xd: {  	[sflag:s7] =	ssyncset.done $0x0  }
0xe: {  	s11 =	simm.s32 $0x100;
	s10 =	sadd.s32 $0x3000, s12;
	[sflag:s7] =	ssyncadd.s32 $0xFFFFFF80  }
0xf: {  	[tilespmem:s11], [sflag:$0x1] =	stream.linear.gather [hbm4b:s10+s5], $0x80, $0x38;
	[tilespmem:$0x940] =	vst v63  }
0x10: {  	s14 =	ssub.s32 $0x2, s4;
	_ =	swait.ge [sflag:s7], $0x80  }
0x11: {  	s13 =	simm.s32 $0x180;
	s15 =	sshrl.u32 s14, $0x1;
	[sflag:s7] =	ssyncset.done $0x0  }
0x12: {  	s14 =	ssub.s32 s14, s15;
	s12 =	sadd.s32 $0x4000, s12;
	[sflag:s7] =	ssyncadd.s32 $0xFFFFFF80  }
0x13: {  	[tilespmem:s13], [sflag:$0x1] =	stream.linear.gather [hbm4b:s12+s5], $0x80, $0x38;
	[tilespmem:$0x940] =	vst v63  }
0x14: {  	s14 =	smax.u32 s14, $0x1;
	_ =	swait.ge [sflag:s7], $0x80  }
0x15: {  	s14 =	sadd.s32 $0xFFFFFFFF, s14;
	[sflag:s7] =	ssyncset.done $0x0  }
0x16: {  	p1 =	sne.s32 s14, $0x0;
	[sflag:s7] =	ssyncadd.s32 $0xFFFFFF80  }
.Ltmp0:
0x17: {  	v0 =	vld [tilespmem:$0xF0];
	(pc) =	sbr.rel @!p1 .LBB2_2-.Ltmp0, $4  }
0x18: {  	v1 =	vld [tilespmem:$0x80]  }
0x19: {  	s4 =	sshll.u32 s4, $0x4;
	v3 =	vld [tilespmem:$0xD0]  }
0x1a: {  	p0 =	sne.s32 s3, $0x0;
	s31 =	sadd.s32 s4, s2;
	v2 =	vld [tilespmem:$0x50]  }
0x1b: {  	s3 =	sshrl.u32 @!p0 s1, $0x3;
	s4 =	sadd.s32 $0x3200, s2;
	s2 =	sadd.s32 $0x4200, s31;
	v4 =	vld [tilespmem:$0x0]  }
.LBB2_1:
0x1c: {  	s14 =	sadd.s32 $0xFFFFFFFF, s14;
	v5 =	vld [tilespmem:$0xC0]  }
0x1d: {  	p1 =	sne.s32 s14, $0x0;
	v6 =	vld [tilespmem:$0x40]  }
0x1e: {  	v3 =	vshll.u32 v3, $0x7;
	v7 =	vld [tilespmem:$0xE0]  }
0x1f: {  	v1 =	vshll.u32 v1, $0x7;
	v2 =	vadd.s32 v2, v3;
	v3 =	vld [tilespmem:$0x60]  }
0x20: {  	v1 =	vadd.s32 v4, v1;
	v4 =	vld [tilespmem:$0x90];
	[tilespmem:$0x250] =	vst v2;
	v2 =	vadd.s32 $0x3200, v2  }
0x21: {  	v8 =	vadd.s32 $0x3200, v1;
	v9 =	vld [tilespmem:$0x10];
	v5 =	vshll.u32 v5, $0x7  }
0x22: {  	[tilespmem:$0x280] =	vst v8;
	v8 =	vld [tilespmem:$0xB0];
	v5 =	vadd.s32 v6, v5  }
0x23: {  	v6 =	vld [tilespmem:$0x30];
	[tilespmem:$0x240] =	vst v5;
	v5 =	vadd.s32 $0x3200, v5;
	v7 =	vshll.u32 v7, $0x7  }
0x24: {  	v10 =	vld [tilespmem:$0xA0];
	[tilespmem:$0x2D0] =	vst v2;
	v2 =	vadd.s32 v3, v7  }
0x25: {  	v3 =	vld [tilespmem:$0x20];
	[tilespmem:$0x2C0] =	vst v5;
	v5 =	vadd.s32 $0x3200, v2  }
0x26: {  	[tilespmem:$0x200] =	vst v1;
	v1 =	vld [tilespmem:$0x70]  }
0x27: {  	v7 =	vshll.u32 v8, $0x7;
	[tilespmem:$0x2E0] =	vst v5  }
0x28: {  	v5 =	vadd.s32 v6, v7;
	[tilespmem:$0x260] =	vst v2  }
0x29: {  	v2 =	vshll.u32 v4, $0x7;
	[tilespmem:$0x230] =	vst v5;
	v4 =	vadd.s32 $0x3200, v5  }
0x2a: {  	v2 =	vadd.s32 v9, v2;
	[tilespmem:$0x2B0] =	vst v4  }
0x2b: {  	v4 =	vshll.u32 v10, $0x7;
	[tilespmem:$0x210] =	vst v2;
	v2 =	vadd.s32 $0x3200, v2  }
0x2c: {  	v0 =	vshll.u32 v0, $0x7;
	[tilespmem:$0x290] =	vst v2;
	v2 =	vadd.s32 v3, v4  }
0x2d: {  	v0 =	vadd.s32 v1, v0;
	[tilespmem:$0x220] =	vst v2;
	v2 =	vadd.s32 $0x3200, v2  }
0x2e: {  	[tilespmem:$0x270] =	vst v0;
	v0 =	vadd.s32 $0x3200, v0  }
0x2f: {  	[tilespmem:$0x2F0] =	vst v0  }
0x30: {  	s15 =	simm.s32 @p0 $0x80;
	s16 =	simm.s32 @p0 $0x200;
	s17 =	simm.s32 @p0 $0x100;
	[tilespmem:$0x2A0] =	vst v2  }
0x31: {  	s18 =	simm.s32 @p0 $0x1;
	[bflag:$0x0] =	sbarrier.arrive @p0 $0xFFFF  }
0x32: {  	[spmem:s1] =	stream.indirect.scatter.add.f32 @p0 [tilespmem:s17], [sflag:$0x1], $0x1, s16, s15, $0xb8;
	[tilespmem:$0x940] =	vst v63  }
0x33: {  	_ =	swait.ge @p0 [sflag:s18], $0x80  }
0x34: {  	s16 =	simm.s32 @p0 $0x280;
	s17 =	simm.s32 @p0 $0x180;
	[sflag:s18] =	ssyncset.done @p0 $0x0  }
0x35: {  	[sflag:s18] =	ssyncadd.s32 @p0 $0xFFFFFF80  }
0x36: {  	[spmem:s1] =	stream.indirect.scatter.add.f32 @p0 [tilespmem:s17], [sflag:$0x1], $0x1, s16, s15, $0xb8;
	[tilespmem:$0x940] =	vst v63  }
0x37: {  	_ =	swait.ge @p0 [sflag:s18], $0x80  }
0x38: {  	[sflag:s18] =	ssyncset.done @p0 $0x0  }
0x39: {  	s15 =	simm.s32 @!p0 $0x1C01;
	[sflag:s18] =	ssyncadd.s32 @p0 $0xFFFFFF80  }
0x3a: {  	s16 =	simm.s32 @!p0 $0x1;
	[bflag:$0x0] =	sbarrier.arrive @p0 $0xFFFF  }
0x3b: {  	[spmem:s3], [sflag:s15] =	dma.local @!p0 [hbm:s4], $0xC80  }
0x3c: {  	_ =	swait.ge @!p0 [sflag:s16], $0xC80  }
0x3d: {  	s17 =	simm.s32 @!p0 $0x100;
	[sflag:s16] =	ssyncset.done @!p0 $0x0  }
0x3e: {  	s19 =	simm.s32 @!p0 $0x200;
	s18 =	simm.s32 @!p0 $0x80;
	[sflag:s16] =	ssyncadd.s32 @!p0 $0xFFFFF380  }
0x3f: {  	[bflag:$0x0] =	sbarrier.arrive @!p0 $0xFFFF  }
0x40: {  	[spmem:s1] =	stream.indirect.scatter.add.f32 @!p0 [tilespmem:s17], [sflag:$0x1], $0x1, s19, s18, $0xb8;
	[tilespmem:$0x940] =	vst v63  }
0x41: {  	_ =	swait.ge @!p0 [sflag:s16], $0x80  }
0x42: {  	s17 =	simm.s32 @!p0 $0x280;
	s19 =	simm.s32 @!p0 $0x180;
	[sflag:s16] =	ssyncset.done @!p0 $0x0  }
0x43: {  	[sflag:s16] =	ssyncadd.s32 @!p0 $0xFFFFFF80  }
0x44: {  	[spmem:s1] =	stream.indirect.scatter.add.f32 @!p0 [tilespmem:s19], [sflag:$0x1], $0x1, s17, s18, $0xb8;
	[tilespmem:$0x940] =	vst v63  }
0x45: {  	_ =	swait.ge @!p0 [sflag:s16], $0x80  }
0x46: {  	[sflag:s16] =	ssyncset.done @!p0 $0x0  }
0x47: {  	s17 =	simm.s32 @!p0 $0x20;
	s18 =	simm.s32 @!p0 $0x10;
	[sflag:s16] =	ssyncadd.s32 @!p0 $0xFFFFFF80  }
0x48: {  	[bflag:$0x0] =	sbarrier.arrive @!p0 $0xFFFF  }
0x49: {  	[hbm:s2@s17], [sflag:s15] =	dma.strided @!p0 [spmem:s3@s18], $0xC80, s16, $0x10   }
0x4a: {  	_ =	swait.ge @!p0 [sflag:s16], $0xC80  }
0x4b: {  	[sflag:s16] =	ssyncset.done @!p0 $0x0  }
0x4c: {  	[sflag:s16] =	ssyncadd.s32 @!p0 $0xFFFFF380  }
0x4d: {  	[tilespmem:s5], [sflag:$0x1] =	stream.linear.gather [hbm4b:s6+s5], $0x80, $0x38;
	[tilespmem:$0x940] =	vst v63  }
0x4e: {  	_ =	swait.ge [sflag:s7], $0x80  }
0x4f: {  	[sflag:s7] =	ssyncset.done $0x0  }
0x50: {  	[sflag:s7] =	ssyncadd.s32 $0xFFFFFF80  }
0x51: {  	[tilespmem:s9], [sflag:$0x1] =	stream.linear.gather [hbm4b:s8+s5], $0x80, $0x38;
	[tilespmem:$0x940] =	vst v63  }
0x52: {  	_ =	swait.ge [sflag:s7], $0x80  }
0x53: {  	[sflag:s7] =	ssyncset.done $0x0  }
0x54: {  	[sflag:s7] =	ssyncadd.s32 $0xFFFFFF80  }
0x55: {  	[tilespmem:s11], [sflag:$0x1] =	stream.linear.gather [hbm4b:s10+s5], $0x80, $0x38;
	[tilespmem:$0x940] =	vst v63  }
0x56: {  	_ =	swait.ge [sflag:s7], $0x80  }
0x57: {  	[sflag:s7] =	ssyncset.done $0x0  }
0x58: {  	[sflag:s7] =	ssyncadd.s32 $0xFFFFFF80  }
0x59: {  	[tilespmem:s13], [sflag:$0x1] =	stream.linear.gather [hbm4b:s12+s5], $0x80, $0x38;
	[tilespmem:$0x940] =	vst v63  }
0x5a: {  	_ =	swait.ge [sflag:s7], $0x80  }
0x5b: {  	[sflag:s7] =	ssyncset.done $0x0  }
0x5c: {  	[sflag:s7] =	ssyncadd.s32 $0xFFFFFF80  }
.Ltmp1:
0x5d: {  	v0 =	vld [tilespmem:$0xF0];
	(pc) =	sbr.rel @p1 .LBB2_1-.Ltmp1, $4  }
0x5e: {  	v1 =	vld [tilespmem:$0x80]  }
0x5f: {  	v3 =	vld [tilespmem:$0xD0]  }
0x60: {  	v2 =	vld [tilespmem:$0x50]  }
0x61: {  	v4 =	vld [tilespmem:$0x0]  }
.LBB2_2:
0x62: {  	v5 =	vld [tilespmem:$0xC0]  }
0x63: {  	v6 =	vld [tilespmem:$0x40]  }
0x64: {  	v7 =	vld [tilespmem:$0xE0]  }
0x65: {  	v55 =	vld [tilespmem:$0x60]  }
0x66: {  	v61 =	vld [tilespmem:$0x70];
	v3 =	vshll.u32 v3, $0x7  }
0x67: {  	v8 =	vld [tilespmem:$0x90];
	v2 =	vadd.s32 v2, v3  }
0x68: {  	v58 =	vld [tilespmem:$0x10];
	v1 =	vshll.u32 v1, $0x7;
	[tilespmem:$0x250] =	vst v2;
	v2 =	vadd.s32 $0x3200, v2  }
0x69: {  	v59 =	vld [tilespmem:$0xA0];
	v1 =	vadd.s32 v4, v1;
	[tilespmem:$0x2D0] =	vst v2  }
0x6a: {  	v60 =	vld [tilespmem:$0x20];
	v0 =	vshll.u32 v0, $0x7;
	v4 =	vadd.s32 $0x3200, v1;
	[tilespmem:$0x200] =	vst v1  }
0x6b: {  	v5 =	vshll.u32 v5, $0x7;
	v0 =	vadd.s32 v61, v0;
	[tilespmem:$0x280] =	vst v4  }
0x6c: {  	v7 =	vshll.u32 v7, $0x7;
	v5 =	vadd.s32 v6, v5;
	[tilespmem:$0x270] =	vst v0  }
0x6d: {  	v56 =	vld [tilespmem:$0xB0];
	v62 =	vshll.u32 v8, $0x7;
	v3 =	vadd.s32 v55, v7;
	[tilespmem:$0x240] =	vst v5  }
0x6e: {  	v57 =	vld [tilespmem:$0x30];
	v63 =	vshll.u32 v59, $0x7;
	v2 =	vadd.s32 v58, v62;
	[tilespmem:$0x260] =	vst v3  }
0x6f: {  	v1 =	vadd.s32 v60, v63;
	[tilespmem:$0x210] =	vst v2  }
0x70: {  	v0 =	vadd.s32 $0x3200, v0;
	[tilespmem:$0x220] =	vst v1  }
0x71: {  	v5 =	vadd.s32 $0x3200, v5;
	[tilespmem:$0x2F0] =	vst v0  }
0x72: {  	v4 =	vshll.u32 v56, $0x7;
	v7 =	vadd.s32 $0x3200, v3;
	[tilespmem:$0x2C0] =	vst v5  }
0x73: {  	v4 =	vadd.s32 v57, v4;
	[tilespmem:$0x2E0] =	vst v7  }
0x74: {  	v2 =	vadd.s32 $0x3200, v2;
	[tilespmem:$0x230] =	vst v4  }
0x75: {  	v1 =	vadd.s32 $0x3200, v1;
	[tilespmem:$0x290] =	vst v2  }
0x76: {  	v4 =	vadd.s32 $0x3200, v4;
	[tilespmem:$0x2A0] =	vst v1  }
0x77: {  	s5 =	simm.s32 @p0 $0x80;
	s6 =	simm.s32 @p0 $0x200;
	[tilespmem:$0x2B0] =	vst v4  }
0x78: {  	s7 =	simm.s32 @p0 $0x100;
	s8 =	simm.s32 @p0 $0x1;
	[bflag:$0x0] =	sbarrier.arrive @p0 $0xFFFF  }
0x79: {  	[spmem:s1] =	stream.indirect.scatter.add.f32 @p0 [tilespmem:s7], [sflag:$0x1], $0x1, s6, s5, $0xb8;
	[tilespmem:$0x940] =	vst v63  }
0x7a: {  	_ =	swait.ge @p0 [sflag:s8], $0x80  }
0x7b: {  	[sflag:s8] =	ssyncset.done @p0 $0x0  }
0x7c: {  	s6 =	simm.s32 @p0 $0x280;
	s7 =	simm.s32 @p0 $0x180;
	[sflag:s8] =	ssyncadd.s32 @p0 $0xFFFFFF80  }
0x7d: {  	[spmem:s1] =	stream.indirect.scatter.add.f32 @p0 [tilespmem:s7], [sflag:$0x1], $0x1, s6, s5, $0xb8;
	[tilespmem:$0x940] =	vst v63  }
0x7e: {  	_ =	swait.ge @p0 [sflag:s8], $0x80  }
0x7f: {  	[sflag:s8] =	ssyncset.done @p0 $0x0  }
0x80: {  	[sflag:s8] =	ssyncadd.s32 @p0 $0xFFFFFF80  }
0x81: {  	s5 =	simm.s32 @!p0 $0x1C01;
	s6 =	simm.s32 @!p0 $0x1;
	[bflag:$0x0] =	sbarrier.arrive @p0 $0xFFFF  }
0x82: {  	[spmem:s3], [sflag:s5] =	dma.local @!p0 [hbm:s4], $0xC80  }
0x83: {  	_ =	swait.ge @!p0 [sflag:s6], $0xC80  }
0x84: {  	[sflag:s6] =	ssyncset.done @!p0 $0x0  }
0x85: {  	s7 =	simm.s32 @!p0 $0x80;
	[sflag:s6] =	ssyncadd.s32 @!p0 $0xFFFFF380  }
0x86: {  	s8 =	simm.s32 @!p0 $0x200;
	s4 =	simm.s32 @!p0 $0x100;
	[bflag:$0x0] =	sbarrier.arrive @!p0 $0xFFFF  }
0x87: {  	[spmem:s1] =	stream.indirect.scatter.add.f32 @!p0 [tilespmem:s4], [sflag:$0x1], $0x1, s8, s7, $0xb8;
	[tilespmem:$0x940] =	vst v63  }
0x88: {  	_ =	swait.ge @!p0 [sflag:s6], $0x80  }
0x89: {  	[sflag:s6] =	ssyncset.done @!p0 $0x0  }
0x8a: {  	s4 =	simm.s32 @!p0 $0x280;
	s8 =	simm.s32 @!p0 $0x180;
	[sflag:s6] =	ssyncadd.s32 @!p0 $0xFFFFFF80  }
0x8b: {  	[spmem:s1] =	stream.indirect.scatter.add.f32 @!p0 [tilespmem:s8], [sflag:$0x1], $0x1, s4, s7, $0xb8;
	[tilespmem:$0x940] =	vst v63  }
0x8c: {  	_ =	swait.ge @!p0 [sflag:s6], $0x80  }
0x8d: {  	[sflag:s6] =	ssyncset.done @!p0 $0x0  }
0x8e: {  	[sflag:s6] =	ssyncadd.s32 @!p0 $0xFFFFFF80  }
0x8f: {  	s1 =	simm.s32 @!p0 $0x20;
	s4 =	simm.s32 @!p0 $0x10;
	[bflag:$0x0] =	sbarrier.arrive @!p0 $0xFFFF  }
0x90: {  	[hbm:s2@s1], [sflag:s5] =	dma.strided @!p0 [spmem:s3@s4], $0xC80, s6, $0x10   }
0x91: {  	_ =	swait.ge @!p0 [sflag:s6], $0xC80  }
0x92: {  	[sflag:s6] =	ssyncset.done @!p0 $0x0  }
0x93: {  	[sflag:s6] =	ssyncadd.s32 @!p0 $0xFFFFF380  }
0x94: {  	_ =	sfence.sel $0x180000  }
0x95: {  	[bflag:$0x0] =	sbarrier.arrive $0xFFFF  }
0x96: {  	_ =	strace $0x90000047  }
0x97: {  	s0 =	sadd.s32 @!p0 $0x100000, s0;
	[bflag:$0x2] =	sbarrier.arrive $0xFFFF  }
0x98: {  	[sflag:s0] =	ssyncadd.tile.s32 @!p0 $0x1;
	_ =	shalt  }
.Lfunc_end2:
_tile_overlayer_lowered:
.L_overlay_start_2:
0x99: {  	(tag) =	ssettag $0x2  }
0x9a: {  	s0 =	rddreg [dreg:$0x0];
	s2 =	stileid.u32  }
0x9b: {  	s1 =	rddreg [dreg:$0x1];
	p0 =	sne.s32 s2, $0x0  }
0x9c: {  	s3 =	rddreg [dreg:$0x2];
	[bflag:$0x3] =	sbarrier.arrive $0xFFFF;
	s2 =	simm.s32 @!p0 $0x1C01  }
0x9d: {  	[timem:s3], [sflag:s2] =	dma.local @!p0 [hbm:s0], s1  }
0x9e: {  	s0 =	simm.s32 @!p0 $0x1  }
0x9f: {  	_ =	swait.ge @!p0 [sflag:s0], s1  }
0xa0: {  	s1 =	ssub.s32 @!p0 $0x0, s1;
	[sflag:s0] =	ssyncset.done @!p0 $0x0  }
0xa1: {  	[sflag:s0] =	ssyncadd.s32 @!p0 s1  }
0xa2: {  	[bflag:$0x3] =	sbarrier.arrive $0xFFFF  }
0xa3: {  	_ =	shalt  }

</sc_bundles>
